<compile_context>
chip_gen: v7x
topology: tpu7x:2x2x1
jax: 0.10.2.dev20260603
libtpu: 0.0.44.dev20260713+nightly
codegen_flags: <defaults>
</compile_context>

<pallas_src>
import functools

import jax
import jax.numpy as jnp
from jax import lax
from jax.experimental import pallas as pl
from jax.experimental.pallas import tpu as pltpu
from jax.experimental.pallas import tpu_sc as plsc

_NC = 2
_NS = 16
_NW = _NC * _NS

_CH = 128
_NBUF = 2
_BLK = 2000


def _sc_mesh():
    return plsc.VectorSubcoreMesh(core_axis_name="c", subcore_axis_name="s")


def _build_counts(E, NPAD):
    EPW = E // _NW
    full = EPW // _CH
    tail = EPW - full * _CH
    RPT = NPAD // _NS
    M = full // _NBUF
    assert full == M * _NBUF and M >= 2, (full, _NBUF)

    scratch = (
        [
            pltpu.VMEM_SHARED((NPAD,), jnp.float32),
            pltpu.VMEM_SHARED((NPAD,), jnp.float32),
            pltpu.VMEM((RPT,), jnp.float32),
            pltpu.VMEM((_CH,), jnp.float32),
        ]
        + [pltpu.VMEM((_CH,), jnp.int32) for _ in range(2 * _NBUF)]
        + [pltpu.SemaphoreType.DMA for _ in range(3 * _NBUF)]
        + ([pltpu.VMEM((tail,), jnp.int32) for _ in range(2)] if tail else [])
    )

    @functools.partial(
        pl.kernel,
        mesh=_sc_mesh(),
        out_type=(
            jax.ShapeDtypeStruct((_NC, NPAD), jnp.float32),
            jax.ShapeDtypeStruct((_NC, NPAD), jnp.float32),
        ),
        scratch_types=scratch,
    )
    def counts(row_hbm, col_hbm, degp, cntp, dacc, cacc, zbuf, ones, *rest):
        ir = rest[0:_NBUF]
        ic = rest[_NBUF:2 * _NBUF]
        isem = rest[2 * _NBUF:4 * _NBUF]
        ssem = rest[4 * _NBUF:5 * _NBUF]
        if tail:
            irt, ict = rest[5 * _NBUF:5 * _NBUF + 2]

        cid = lax.axis_index("c")
        sid = lax.axis_index("s")
        wid = cid * _NS + sid
        base = wid * EPW
        zsl = pl.ds(sid * RPT, RPT)

        zero16 = jnp.zeros((16,), jnp.float32)
        one16 = jnp.ones((16,), jnp.float32)

        def fill(i, _):
            zbuf[pl.ds(i * 16, 16)] = zero16
            return 0

        lax.fori_loop(0, RPT // 16, fill, 0)
        for j in range(_CH // 16):
            ones[pl.ds(j * 16, 16)] = one16
        pltpu.sync_copy(zbuf, dacc.at[zsl])
        pltpu.sync_copy(zbuf, cacc.at[zsl])
        plsc.subcore_barrier()

        def idx_dma(c, b):
            off = base + c * _CH
            pltpu.async_copy(row_hbm.at[pl.ds(off, _CH)], ir[b], isem[2 * b])
            pltpu.async_copy(col_hbm.at[pl.ds(off, _CH)], ic[b], isem[2 * b + 1])

        def idx_wait(b):
            pltpu.make_async_copy(
                row_hbm.at[pl.ds(0, _CH)], ir[b], isem[2 * b]).wait()
            pltpu.make_async_copy(
                col_hbm.at[pl.ds(0, _CH)], ic[b], isem[2 * b + 1]).wait()

        def sct_wait(b):
            pltpu.make_async_copy(
                row_hbm.at[pl.ds(0, _CH)], ir[b], ssem[b]).wait()
            pltpu.make_async_copy(
                col_hbm.at[pl.ds(0, _CH)], ic[b], ssem[b]).wait()

        for b in range(_NBUF):
            idx_dma(b, b)

        def group(m, _):
            for b in range(_NBUF):
                idx_wait(b)
                pltpu.async_copy(ones, dacc.at[ir[b]], ssem[b], add=True)
                pltpu.async_copy(ones, cacc.at[ic[b]], ssem[b], add=True)
            for b in range(_NBUF):
                sct_wait(b)
                idx_dma(m * _NBUF + b + _NBUF, b)
            return 0

        lax.fori_loop(0, M - 1, group, 0)
        for b in range(_NBUF):
            idx_wait(b)
            pltpu.async_copy(ones, dacc.at[ir[b]], ssem[b], add=True)
            pltpu.async_copy(ones, cacc.at[ic[b]], ssem[b], add=True)
        for b in range(_NBUF):
            sct_wait(b)
        if tail:
            off = base + full * _CH
            pltpu.sync_copy(row_hbm.at[pl.ds(off, tail)], irt)
            pltpu.sync_copy(col_hbm.at[pl.ds(off, tail)], ict)
            pltpu.sync_copy(ones.at[pl.ds(0, tail)], dacc.at[irt], add=True)
            pltpu.sync_copy(ones.at[pl.ds(0, tail)], cacc.at[ict], add=True)

        plsc.subcore_barrier()
        pltpu.sync_copy(dacc.at[zsl], degp.at[cid, zsl])
        pltpu.sync_copy(cacc.at[zsl], cntp.at[cid, zsl])

    return counts


def _build_edges(E, NPAD, D):
    EPW = E // _NW
    full = EPW // _CH
    tail = EPW - full * _CH
    RPT = NPAD // _NS
    NZ = RPT // _CH
    M = full // _NBUF
    assert full == M * _NBUF and M >= 2, (full, _NBUF)

    scratch = (
        [
            pltpu.VMEM_SHARED((NPAD, D), jnp.float32),
            pltpu.VMEM((EPW,), jnp.int32),
        ]
        + [pltpu.VMEM((_CH, D), jnp.float32) for _ in range(_NBUF)]
        + [pltpu.VMEM((_CH,), jnp.int32) for _ in range(_NBUF)]
        + [pltpu.SemaphoreType.DMA for _ in range(2 * _NBUF)]
        + ([pltpu.VMEM((tail, D), jnp.float32), pltpu.VMEM((tail,), jnp.int32)]
           if tail else [])
    )

    @functools.partial(
        pl.kernel,
        mesh=_sc_mesh(),
        out_type=jax.ShapeDtypeStruct((_NC, NPAD, D), jnp.float32),
        scratch_types=scratch,
    )
    def edges(g_hbm, row_hbm, col_hbm, p_hbm, acc, rowall, *rest):
        rows = rest[0:_NBUF]
        ic = rest[_NBUF:2 * _NBUF]
        gsem = rest[2 * _NBUF:3 * _NBUF]
        csem = rest[3 * _NBUF:4 * _NBUF]
        if tail:
            rows_t, ict = rest[4 * _NBUF:4 * _NBUF + 2]

        cid = lax.axis_index("c")
        sid = lax.axis_index("s")
        wid = cid * _NS + sid
        base = wid * EPW

        zero16 = jnp.zeros((16,), jnp.float32)

        def zrow(i, _):
            for j in range(D // 16):
                rows[0][i, pl.ds(j * 16, 16)] = zero16
            return 0

        lax.fori_loop(0, _CH, zrow, 0)
        for z in range(NZ):
            pltpu.sync_copy(rows[0], acc.at[pl.ds(sid * RPT + z * _CH, _CH)])
        pltpu.sync_copy(row_hbm.at[pl.ds(base, EPW)], rowall)
        plsc.subcore_barrier()

        def issue(c, b):
            pltpu.async_copy(col_hbm.at[pl.ds(base + c * _CH, _CH)], ic[b],
                             csem[b])
            pltpu.async_copy(g_hbm.at[rowall.at[pl.ds(c * _CH, _CH)]], rows[b],
                             gsem[b])

        def wait(b):
            pltpu.make_async_copy(
                col_hbm.at[pl.ds(0, _CH)], ic[b], csem[b]).wait()
            pltpu.make_async_copy(
                g_hbm.at[pl.ds(0, _CH)], rows[b], gsem[b]).wait()

        for b in range(_NBUF):
            issue(b, b)

        def group(m, _):
            for b in range(_NBUF):
                c = m * _NBUF + b
                wait(b)
                pltpu.sync_copy(rows[b], acc.at[ic[b]], add=True)
                issue(c + _NBUF, b)
            return 0

        lax.fori_loop(0, M - 1, group, 0)
        for b in range(_NBUF):
            wait(b)
            pltpu.sync_copy(rows[b], acc.at[ic[b]], add=True)
        if tail:
            off = base + full * _CH
            pltpu.sync_copy(col_hbm.at[pl.ds(off, tail)], ict)
            pltpu.async_copy(
                g_hbm.at[rowall.at[pl.ds(full * _CH, tail)]], rows_t,
                gsem[0]).wait()
            pltpu.sync_copy(rows_t, acc.at[ict], add=True)

        plsc.subcore_barrier()
        osl = pl.ds(sid * RPT, RPT)
        pltpu.sync_copy(acc.at[osl], p_hbm.at[cid, osl])

    return edges


def _linear_body(x_ref, w_ref, b_ref, dg_ref, g_ref):
    h = jnp.dot(x_ref[...], w_ref[...], preferred_element_type=jnp.float32)
    h = h + b_ref[...]
    d = dg_ref[...]
    deg = d[0] + d[1] + 1.0
    g_ref[...] = h * lax.rsqrt(deg)


def _combine_body(p_ref, g_ref, dg_ref, cn_ref, o_ref):
    p = p_ref[...]
    d = dg_ref[...]
    c = cn_ref[...]
    deg = d[0] + d[1] + 1.0
    cnt = c[0] + c[1] + 1.0
    o_ref[...] = (p[0] + p[1] + g_ref[...]) * (lax.rsqrt(deg) / cnt)


def _tc_linear(x, W, b2, degr):
    N, D_IN = x.shape
    D_OUT = W.shape[1]
    return pl.pallas_call(
        _linear_body,
        grid=(N // _BLK,),
        in_specs=[
            pl.BlockSpec((_BLK, D_IN), lambda i: (i, 0)),
            pl.BlockSpec((D_IN, D_OUT), lambda i: (0, 0)),
            pl.BlockSpec((1, D_OUT), lambda i: (0, 0)),
            pl.BlockSpec((_NC, _BLK, 1), lambda i: (0, i, 0)),
        ],
        out_specs=pl.BlockSpec((_BLK, D_OUT), lambda i: (i, 0)),
        out_shape=jax.ShapeDtypeStruct((N, D_OUT), jnp.float32),
    )(x, W, b2, degr)


def _tc_combine(P, g, degr, cntr):
    N, D_OUT = g.shape
    return pl.pallas_call(
        _combine_body,
        grid=(N // _BLK,),
        in_specs=[
            pl.BlockSpec((_NC, _BLK, D_OUT), lambda i: (0, i, 0)),
            pl.BlockSpec((_BLK, D_OUT), lambda i: (i, 0)),
            pl.BlockSpec((_NC, _BLK, 1), lambda i: (0, i, 0)),
            pl.BlockSpec((_NC, _BLK, 1), lambda i: (0, i, 0)),
        ],
        out_specs=pl.BlockSpec((_BLK, D_OUT), lambda i: (i, 0)),
        out_shape=jax.ShapeDtypeStruct((N, D_OUT), jnp.float32),
    )(P, g, degr, cntr)


def kernel(x, edge_index, W, b):
    N, D_IN = x.shape
    D_OUT = W.shape[1]
    E = edge_index.shape[1]
    assert E % _NW == 0 and N % _BLK == 0, (E, N)
    group = _NS * _CH
    NPAD = -(-N // group) * group

    row = edge_index[0]
    col = edge_index[1]

    degp, cntp = _build_counts(E, NPAD)(row, col)
    degr = degp.reshape(_NC, NPAD, 1)
    cntr = cntp.reshape(_NC, NPAD, 1)

    g = _tc_linear(x, W, b.reshape(1, D_OUT), degr)

    P = _build_edges(E, NPAD, D_OUT)(g, row, col)

    out = _tc_combine(P, g, degr, cntr)
    return out

# --- scband reference (transcript-rebuilt; emitter-appended) ---
"""Pipeline reference for scband-gcnmy-conv-10591389352439 (READ-ONLY COPY).

The authoritative reference and input builder live on the scoring server;
editing this copy changes nothing except your own understanding.
"""

import jax, jax.numpy as jnp
import numpy as np

N = 10000
E = 320000
D_IN = 128
D_OUT = 128


def setup_inputs(seed: int = 0) -> dict:
    key = jax.random.key(seed)
    k1, k2, k3, k4 = jax.random.split(key, 4)
    x = jax.random.normal(k1, (N, D_IN), dtype=jnp.float32)
    edge_index = jax.random.randint(k2, (2, E), 0, N, dtype=jnp.int32)
    W = jax.random.normal(k3, (D_IN, D_OUT), dtype=jnp.float32) * (1.0 / np.sqrt(D_IN))
    b = jax.random.normal(k4, (D_OUT,), dtype=jnp.float32) * 0.01
    return {"x": x, "edge_index": edge_index, "W": W, "b": b}


def reference(x, edge_index, W, b):
    # add self loops
    num_nodes = x.shape[0]
    loop = jnp.arange(num_nodes, dtype=edge_index.dtype)
    ei = jnp.concatenate([edge_index, jnp.stack([loop, loop], axis=0)], axis=1)
    # linear transform
    h = x @ W + b
    row, col = ei[0], ei[1]
    # symmetric degree normalization (degree computed over row, incl. self loops)
    deg = jnp.bincount(row, length=num_nodes).astype(h.dtype)
    deg_inv_sqrt = jnp.where(deg > 0, deg ** -0.5, 0.0)
    norm = deg_inv_sqrt[row] * deg_inv_sqrt[col]
    # message: norm * x_j (gather over source nodes)
    msg = norm[:, None] * h[row]
    # mean aggregation at destination nodes (scatter-add + count)
    summed = jax.ops.segment_sum(msg, col, num_segments=num_nodes)
    cnt = jax.ops.segment_sum(jnp.ones_like(norm), col, num_segments=num_nodes)
    out = summed / jnp.clip(cnt, 1.0)[:, None]
    return out

if __name__ == "__main__":
    import jax
    _d = setup_inputs()
    print(jax.jit(kernel)(*tuple(_d.values())))

</pallas_src>

<mosaic_0001>
#map = affine_map<(d0, d1) -> (0)>
#map1 = affine_map<(d0, d1) -> (0, 0)>
module attributes {stable_mosaic.version = 14 : i64} {
  func.func @counts(%arg0: i32, %arg1: i32, %arg2: memref<320000xi32, #tpu.memory_space<hbm>>, %arg3: memref<320000xi32, #tpu.memory_space<hbm>>, %arg4: memref<2x10240xf32, #tpu.memory_space<hbm>>, %arg5: memref<2x10240xf32, #tpu.memory_space<hbm>>, %arg6: memref<10240xf32, #tpu.memory_space<vmem_shared>>, %arg7: memref<10240xf32, #tpu.memory_space<vmem_shared>>, %arg8: memref<640xf32, #tpu.memory_space<vmem>>, %arg9: memref<128xf32, #tpu.memory_space<vmem>>, %arg10: memref<128xi32, #tpu.memory_space<vmem>>, %arg11: memref<128xi32, #tpu.memory_space<vmem>>, %arg12: memref<128xi32, #tpu.memory_space<vmem>>, %arg13: memref<128xi32, #tpu.memory_space<vmem>>, %arg14: memref<!tpu.dma_semaphore, #tpu.memory_space<semaphore_mem>>, %arg15: memref<!tpu.dma_semaphore, #tpu.memory_space<semaphore_mem>>, %arg16: memref<!tpu.dma_semaphore, #tpu.memory_space<semaphore_mem>>, %arg17: memref<!tpu.dma_semaphore, #tpu.memory_space<semaphore_mem>>, %arg18: memref<!tpu.dma_semaphore, #tpu.memory_space<semaphore_mem>>, %arg19: memref<!tpu.dma_semaphore, #tpu.memory_space<semaphore_mem>>, %arg20: memref<16xi32, #tpu.memory_space<vmem>>, %arg21: memref<16xi32, #tpu.memory_space<vmem>>) attributes {dimension_semantics = [#tpu.dimension_semantics<core_parallel>, #tpu.dimension_semantics<subcore_parallel>], iteration_bounds = array<i64: 2, 16>, scalar_prefetch = 0 : i64, scratch_operands = 16 : i64, tpu.core_type = #tpu.core_type<sc_vector_subcore>, window_params = [{transform_indices = #map}, {transform_indices = #map}, {transform_indices = #map1}, {transform_indices = #map1}]} {
    %mul3A = arith.constant 16 : i32
    %mul3A_0 = arith.muli %arg0, %mul3A : i32
    %add3A = arith.addi %mul3A_0, %arg1 : i32
    %mul3A_1 = arith.constant 10000 : i32
    %mul3A_2 = arith.muli %add3A, %mul3A_1 : i32
    %mul3A_3 = arith.constant 640 : i32
    %mul3A_4 = arith.muli %arg1, %mul3A_3 : i32
    %broadcast_in_dim3A = arith.constant 0.000000e+00 : f32
    %broadcast_in_dim3A_5 = vector.broadcast %broadcast_in_dim3A : f32 to vector<16xf32>
    %broadcast_in_dim3A_6 = arith.constant 1.000000e+00 : f32
    %broadcast_in_dim3A_7 = vector.broadcast %broadcast_in_dim3A_6 : f32 to vector<16xf32>
    %scan3A = arith.constant 0 : i32
    %scan3A_8 = arith.constant 0 : i32
    %scan3A_9 = arith.constant 40 : i32
    %scan3A_10 = arith.addi %scan3A_8, %scan3A_9 : i32
    %scan3A_11 = arith.constant 1 : i32
    %scan3A_12 = scf.for %scan3A_105 = %scan3A_8 to %scan3A_10 step %scan3A_11 iter_args(%scan3A_106 = %scan3A) -> (i32)  : i32 {
      %mul3A_107 = arith.constant 16 : i32
      %mul3A_108 = arith.muli %scan3A_105, %mul3A_107 : i32
      %swap3A_109 = arith.index_cast %mul3A_108 : i32 to index
      %swap3A_110 = tpu.vector_load %arg8[%swap3A_109] {strides = array<i32>} : memref<640xf32, #tpu.memory_space<vmem>>, vector<16xf32>,
      %swap3A_111 = vector.shape_cast %swap3A_110 : vector<16xf32> to vector<16xf32>
      %swap3A_112 = vector.shape_cast %broadcast_in_dim3A_5 : vector<16xf32> to vector<16xf32>
      tpu.vector_store %arg8[%swap3A_109], %swap3A_112 {strides = array<i32>} : memref<640xf32, #tpu.memory_space<vmem>>, vector<16xf32>,
      %scan3A_113 = arith.constant 0 : i32
      scf.yield %scan3A_113 : i32
    }
    %scan3A_13 = arith.constant 40 : i32
    %swap3A = arith.constant 0 : index
    %swap3A_14 = tpu.vector_load %arg9[%swap3A] {strides = array<i32>} : memref<128xf32, #tpu.memory_space<vmem>>, vector<16xf32>,
    %swap3A_15 = vector.shape_cast %swap3A_14 : vector<16xf32> to vector<16xf32>
    %swap3A_16 = vector.shape_cast %broadcast_in_dim3A_7 : vector<16xf32> to vector<16xf32>
    tpu.vector_store %arg9[%swap3A], %swap3A_16 {strides = array<i32>} : memref<128xf32, #tpu.memory_space<vmem>>, vector<16xf32>,
    %swap3A_17 = arith.constant 16 : index
    %swap3A_18 = tpu.vector_load %arg9[%swap3A_17] {strides = array<i32>} : memref<128xf32, #tpu.memory_space<vmem>>, vector<16xf32>,
    %swap3A_19 = vector.shape_cast %swap3A_18 : vector<16xf32> to vector<16xf32>
    %swap3A_20 = vector.shape_cast %broadcast_in_dim3A_7 : vector<16xf32> to vector<16xf32>
    tpu.vector_store %arg9[%swap3A_17], %swap3A_20 {strides = array<i32>} : memref<128xf32, #tpu.memory_space<vmem>>, vector<16xf32>,
    %swap3A_21 = arith.constant 32 : index
    %swap3A_22 = tpu.vector_load %arg9[%swap3A_21] {strides = array<i32>} : memref<128xf32, #tpu.memory_space<vmem>>, vector<16xf32>,
    %swap3A_23 = vector.shape_cast %swap3A_22 : vector<16xf32> to vector<16xf32>
    %swap3A_24 = vector.shape_cast %broadcast_in_dim3A_7 : vector<16xf32> to vector<16xf32>
    tpu.vector_store %arg9[%swap3A_21], %swap3A_24 {strides = array<i32>} : memref<128xf32, #tpu.memory_space<vmem>>, vector<16xf32>,
    %swap3A_25 = arith.constant 48 : index
    %swap3A_26 = tpu.vector_load %arg9[%swap3A_25] {strides = array<i32>} : memref<128xf32, #tpu.memory_space<vmem>>, vector<16xf32>,
    %swap3A_27 = vector.shape_cast %swap3A_26 : vector<16xf32> to vector<16xf32>
    %swap3A_28 = vector.shape_cast %broadcast_in_dim3A_7 : vector<16xf32> to vector<16xf32>
    tpu.vector_store %arg9[%swap3A_25], %swap3A_28 {strides = array<i32>} : memref<128xf32, #tpu.memory_space<vmem>>, vector<16xf32>,
    %swap3A_29 = arith.constant 64 : index
    %swap3A_30 = tpu.vector_load %arg9[%swap3A_29] {strides = array<i32>} : memref<128xf32, #tpu.memory_space<vmem>>, vector<16xf32>,
    %swap3A_31 = vector.shape_cast %swap3A_30 : vector<16xf32> to vector<16xf32>
    %swap3A_32 = vector.shape_cast %broadcast_in_dim3A_7 : vector<16xf32> to vector<16xf32>
    tpu.vector_store %arg9[%swap3A_29], %swap3A_32 {strides = array<i32>} : memref<128xf32, #tpu.memory_space<vmem>>, vector<16xf32>,
    %swap3A_33 = arith.constant 80 : index
    %swap3A_34 = tpu.vector_load %arg9[%swap3A_33] {strides = array<i32>} : memref<128xf32, #tpu.memory_space<vmem>>, vector<16xf32>,
    %swap3A_35 = vector.shape_cast %swap3A_34 : vector<16xf32> to vector<16xf32>
    %swap3A_36 = vector.shape_cast %broadcast_in_dim3A_7 : vector<16xf32> to vector<16xf32>
    tpu.vector_store %arg9[%swap3A_33], %swap3A_36 {strides = array<i32>} : memref<128xf32, #tpu.memory_space<vmem>>, vector<16xf32>,
    %swap3A_37 = arith.constant 96 : index
    %swap3A_38 = tpu.vector_load %arg9[%swap3A_37] {strides = array<i32>} : memref<128xf32, #tpu.memory_space<vmem>>, vector<16xf32>,
    %swap3A_39 = vector.shape_cast %swap3A_38 : vector<16xf32> to vector<16xf32>
    %swap3A_40 = vector.shape_cast %broadcast_in_dim3A_7 : vector<16xf32> to vector<16xf32>
    tpu.vector_store %arg9[%swap3A_37], %swap3A_40 {strides = array<i32>} : memref<128xf32, #tpu.memory_space<vmem>>, vector<16xf32>,
    %swap3A_41 = arith.constant 112 : index
    %swap3A_42 = tpu.vector_load %arg9[%swap3A_41] {strides = array<i32>} : memref<128xf32, #tpu.memory_space<vmem>>, vector<16xf32>,
    %swap3A_43 = vector.shape_cast %swap3A_42 : vector<16xf32> to vector<16xf32>
    %swap3A_44 = vector.shape_cast %broadcast_in_dim3A_7 : vector<16xf32> to vector<16xf32>
    tpu.vector_store %arg9[%swap3A_41], %swap3A_44 {strides = array<i32>} : memref<128xf32, #tpu.memory_space<vmem>>, vector<16xf32>,
    "tpu.region"() ({
      %run_scoped3A = tpu.sem_alloc : memref<!tpu.dma_semaphore, #tpu.memory_space<semaphore_mem>>
      %dma_start3A_105 = tpu.memref_slice %arg6[%mul3A_4] : memref<10240xf32, #tpu.memory_space<vmem_shared>> -> memref<640xf32, #tpu.memory_space<vmem_shared>>
      %dma_start3A_106 = tpu.memref_slice %arg6[%mul3A_4] : memref<10240xf32, #tpu.memory_space<vmem_shared>> -> memref<640xf32, #tpu.memory_space<vmem_shared>>
      tpu.enqueue_dma source(%arg8 : memref<640xf32, #tpu.memory_space<vmem>>) target(%dma_start3A_106 : memref<640xf32, #tpu.memory_space<vmem_shared>>) target_semaphore(%run_scoped3A : memref<!tpu.dma_semaphore, #tpu.memory_space<semaphore_mem>>)
      %dma_wait3A_107 = tpu.memref_slice %arg6[%mul3A_4] : memref<10240xf32, #tpu.memory_space<vmem_shared>> -> memref<640xf32, #tpu.memory_space<vmem_shared>>
      %dma_wait3A_108 = tpu.memref_slice %arg6[%mul3A_4] : memref<10240xf32, #tpu.memory_space<vmem_shared>> -> memref<640xf32, #tpu.memory_space<vmem_shared>>
      tpu.wait_dma2 semaphore(%run_scoped3A : memref<!tpu.dma_semaphore, #tpu.memory_space<semaphore_mem>>) src(%arg8 : memref<640xf32, #tpu.memory_space<vmem>>) dst(%dma_wait3A_108 : memref<640xf32, #tpu.memory_space<vmem_shared>>)
      tpu.yield
    }) : () -> ()
    "tpu.region"() ({
      %run_scoped3A = tpu.sem_alloc : memref<!tpu.dma_semaphore, #tpu.memory_space<semaphore_mem>>
      %dma_start3A_105 = tpu.memref_slice %arg7[%mul3A_4] : memref<10240xf32, #tpu.memory_space<vmem_shared>> -> memref<640xf32, #tpu.memory_space<vmem_shared>>
      %dma_start3A_106 = tpu.memref_slice %arg7[%mul3A_4] : memref<10240xf32, #tpu.memory_space<vmem_shared>> -> memref<640xf32, #tpu.memory_space<vmem_shared>>
      tpu.enqueue_dma source(%arg8 : memref<640xf32, #tpu.memory_space<vmem>>) target(%dma_start3A_106 : memref<640xf32, #tpu.memory_space<vmem_shared>>) target_semaphore(%run_scoped3A : memref<!tpu.dma_semaphore, #tpu.memory_space<semaphore_mem>>)
      %dma_wait3A_107 = tpu.memref_slice %arg7[%mul3A_4] : memref<10240xf32, #tpu.memory_space<vmem_shared>> -> memref<640xf32, #tpu.memory_space<vmem_shared>>
      %dma_wait3A_108 = tpu.memref_slice %arg7[%mul3A_4] : memref<10240xf32, #tpu.memory_space<vmem_shared>> -> memref<640xf32, #tpu.memory_space<vmem_shared>>
      tpu.wait_dma2 semaphore(%run_scoped3A : memref<!tpu.dma_semaphore, #tpu.memory_space<semaphore_mem>>) src(%arg8 : memref<640xf32, #tpu.memory_space<vmem>>) dst(%dma_wait3A_108 : memref<640xf32, #tpu.memory_space<vmem_shared>>)
      tpu.yield
    }) : () -> ()
    %barrier3A = arith.constant 0 : index
    tpu.barrier barrier_id(%barrier3A)
    %add3A_45 = arith.constant 0 : i32
    %add3A_46 = arith.addi %mul3A_2, %add3A_45 : i32
    %dma_start3A = tpu.memref_slice %arg2[%add3A_46] : memref<320000xi32, #tpu.memory_space<hbm>> -> memref<128xi32, #tpu.memory_space<hbm>>
    %dma_start3A_47 = tpu.memref_slice %arg2[%add3A_46] : memref<320000xi32, #tpu.memory_space<hbm>> -> memref<128xi32, #tpu.memory_space<hbm>>
    tpu.enqueue_dma source(%dma_start3A_47 : memref<128xi32, #tpu.memory_space<hbm>>) target(%arg10 : memref<128xi32, #tpu.memory_space<vmem>>) target_semaphore(%arg14 : memref<!tpu.dma_semaphore, #tpu.memory_space<semaphore_mem>>)
    %dma_start3A_48 = tpu.memref_slice %arg3[%add3A_46] : memref<320000xi32, #tpu.memory_space<hbm>> -> memref<128xi32, #tpu.memory_space<hbm>>
    %dma_start3A_49 = tpu.memref_slice %arg3[%add3A_46] : memref<320000xi32, #tpu.memory_space<hbm>> -> memref<128xi32, #tpu.memory_space<hbm>>
    tpu.enqueue_dma source(%dma_start3A_49 : memref<128xi32, #tpu.memory_space<hbm>>) target(%arg12 : memref<128xi32, #tpu.memory_space<vmem>>) target_semaphore(%arg15 : memref<!tpu.dma_semaphore, #tpu.memory_space<semaphore_mem>>)
    %add3A_50 = arith.constant 128 : i32
    %add3A_51 = arith.addi %mul3A_2, %add3A_50 : i32
    %dma_start3A_52 = tpu.memref_slice %arg2[%add3A_51] : memref<320000xi32, #tpu.memory_space<hbm>> -> memref<128xi32, #tpu.memory_space<hbm>>
    %dma_start3A_53 = tpu.memref_slice %arg2[%add3A_51] : memref<320000xi32, #tpu.memory_space<hbm>> -> memref<128xi32, #tpu.memory_space<hbm>>
    tpu.enqueue_dma source(%dma_start3A_53 : memref<128xi32, #tpu.memory_space<hbm>>) target(%arg11 : memref<128xi32, #tpu.memory_space<vmem>>) target_semaphore(%arg16 : memref<!tpu.dma_semaphore, #tpu.memory_space<semaphore_mem>>)
    %dma_start3A_54 = tpu.memref_slice %arg3[%add3A_51] : memref<320000xi32, #tpu.memory_space<hbm>> -> memref<128xi32, #tpu.memory_space<hbm>>
    %dma_start3A_55 = tpu.memref_slice %arg3[%add3A_51] : memref<320000xi32, #tpu.memory_space<hbm>> -> memref<128xi32, #tpu.memory_space<hbm>>
    tpu.enqueue_dma source(%dma_start3A_55 : memref<128xi32, #tpu.memory_space<hbm>>) target(%arg13 : memref<128xi32, #tpu.memory_space<vmem>>) target_semaphore(%arg17 : memref<!tpu.dma_semaphore, #tpu.memory_space<semaphore_mem>>)
    %scan3A_56 = arith.constant 0 : i32
    %scan3A_57 = arith.constant 0 : i32
    %scan3A_58 = arith.constant 38 : i32
    %scan3A_59 = arith.addi %scan3A_57, %scan3A_58 : i32
    %scan3A_60 = arith.constant 1 : i32
    %scan3A_61 = scf.for %scan3A_105 = %scan3A_57 to %scan3A_59 step %scan3A_60 iter_args(%scan3A_106 = %scan3A_56) -> (i32)  : i32 {
      %dma_wait3A_107 = arith.constant 0 : i32
      %dma_wait3A_108 = tpu.memref_slice %arg2[%dma_wait3A_107] : memref<320000xi32, #tpu.memory_space<hbm>> -> memref<128xi32, #tpu.memory_space<hbm>>
      %dma_wait3A_109 = arith.constant 0 : i32
      %dma_wait3A_110 = tpu.memref_slice %arg2[%dma_wait3A_109] : memref<320000xi32, #tpu.memory_space<hbm>> -> memref<128xi32, #tpu.memory_space<hbm>>
      tpu.wait_dma2 semaphore(%arg14 : memref<!tpu.dma_semaphore, #tpu.memory_space<semaphore_mem>>) src(%dma_wait3A_110 : memref<128xi32, #tpu.memory_space<hbm>>) dst(%arg10 : memref<128xi32, #tpu.memory_space<vmem>>)
      %dma_wait3A_111 = arith.constant 0 : i32
      %dma_wait3A_112 = tpu.memref_slice %arg3[%dma_wait3A_111] : memref<320000xi32, #tpu.memory_space<hbm>> -> memref<128xi32, #tpu.memory_space<hbm>>
      %dma_wait3A_113 = arith.constant 0 : i32
      %dma_wait3A_114 = tpu.memref_slice %arg3[%dma_wait3A_113] : memref<320000xi32, #tpu.memory_space<hbm>> -> memref<128xi32, #tpu.memory_space<hbm>>
      tpu.wait_dma2 semaphore(%arg15 : memref<!tpu.dma_semaphore, #tpu.memory_space<semaphore_mem>>) src(%dma_wait3A_114 : memref<128xi32, #tpu.memory_space<hbm>>) dst(%arg12 : memref<128xi32, #tpu.memory_space<vmem>>)
      %dma_start3A_115 = arith.constant 0 : i32
      %dma_start3A_116 = tpu.memref_slice %arg6[%dma_start3A_115] : memref<10240xf32, #tpu.memory_space<vmem_shared>> -> memref<10240xf32, #tpu.memory_space<vmem_shared>>
      tpu.enqueue_indirect_dma source(%arg9 : memref<128xf32, #tpu.memory_space<vmem>>) target(%dma_start3A_116 : memref<10240xf32, #tpu.memory_space<vmem_shared>>) offsets(%arg10 : memref<128xi32, #tpu.memory_space<vmem>>) semaphore(%arg18 : memref<!tpu.dma_semaphore, #tpu.memory_space<semaphore_mem>>) {add = true}
      %dma_start3A_117 = arith.constant 0 : i32
      %dma_start3A_118 = tpu.memref_slice %arg7[%dma_start3A_117] : memref<10240xf32, #tpu.memory_space<vmem_shared>> -> memref<10240xf32, #tpu.memory_space<vmem_shared>>
      tpu.enqueue_indirect_dma source(%arg9 : memref<128xf32, #tpu.memory_space<vmem>>) target(%dma_start3A_118 : memref<10240xf32, #tpu.memory_space<vmem_shared>>) offsets(%arg12 : memref<128xi32, #tpu.memory_space<vmem>>) semaphore(%arg18 : memref<!tpu.dma_semaphore, #tpu.memory_space<semaphore_mem>>) {add = true}
      %dma_wait3A_119 = arith.constant 0 : i32
      %dma_wait3A_120 = tpu.memref_slice %arg2[%dma_wait3A_119] : memref<320000xi32, #tpu.memory_space<hbm>> -> memref<128xi32, #tpu.memory_space<hbm>>
      %dma_wait3A_121 = arith.constant 0 : i32
      %dma_wait3A_122 = tpu.memref_slice %arg2[%dma_wait3A_121] : memref<320000xi32, #tpu.memory_space<hbm>> -> memref<128xi32, #tpu.memory_space<hbm>>
      tpu.wait_dma2 semaphore(%arg16 : memref<!tpu.dma_semaphore, #tpu.memory_space<semaphore_mem>>) src(%dma_wait3A_122 : memref<128xi32, #tpu.memory_space<hbm>>) dst(%arg11 : memref<128xi32, #tpu.memory_space<vmem>>)
      %dma_wait3A_123 = arith.constant 0 : i32
      %dma_wait3A_124 = tpu.memref_slice %arg3[%dma_wait3A_123] : memref<320000xi32, #tpu.memory_space<hbm>> -> memref<128xi32, #tpu.memory_space<hbm>>
      %dma_wait3A_125 = arith.constant 0 : i32
      %dma_wait3A_126 = tpu.memref_slice %arg3[%dma_wait3A_125] : memref<320000xi32, #tpu.memory_space<hbm>> -> memref<128xi32, #tpu.memory_space<hbm>>
      tpu.wait_dma2 semaphore(%arg17 : memref<!tpu.dma_semaphore, #tpu.memory_space<semaphore_mem>>) src(%dma_wait3A_126 : memref<128xi32, #tpu.memory_space<hbm>>) dst(%arg13 : memref<128xi32, #tpu.memory_space<vmem>>)
      %dma_start3A_127 = arith.constant 0 : i32
      %dma_start3A_128 = tpu.memref_slice %arg6[%dma_start3A_127] : memref<10240xf32, #tpu.memory_space<vmem_shared>> -> memref<10240xf32, #tpu.memory_space<vmem_shared>>
      tpu.enqueue_indirect_dma source(%arg9 : memref<128xf32, #tpu.memory_space<vmem>>) target(%dma_start3A_128 : memref<10240xf32, #tpu.memory_space<vmem_shared>>) offsets(%arg11 : memref<128xi32, #tpu.memory_space<vmem>>) semaphore(%arg19 : memref<!tpu.dma_semaphore, #tpu.memory_space<semaphore_mem>>) {add = true}
      %dma_start3A_129 = arith.constant 0 : i32
      %dma_start3A_130 = tpu.memref_slice %arg7[%dma_start3A_129] : memref<10240xf32, #tpu.memory_space<vmem_shared>> -> memref<10240xf32, #tpu.memory_space<vmem_shared>>
      tpu.enqueue_indirect_dma source(%arg9 : memref<128xf32, #tpu.memory_space<vmem>>) target(%dma_start3A_130 : memref<10240xf32, #tpu.memory_space<vmem_shared>>) offsets(%arg13 : memref<128xi32, #tpu.memory_space<vmem>>) semaphore(%arg19 : memref<!tpu.dma_semaphore, #tpu.memory_space<semaphore_mem>>) {add = true}
      %dma_wait3A_131 = arith.constant 0 : i32
      %dma_wait3A_132 = tpu.memref_slice %arg2[%dma_wait3A_131] : memref<320000xi32, #tpu.memory_space<hbm>> -> memref<128xi32, #tpu.memory_space<hbm>>
      %dma_wait3A_133 = arith.constant 0 : i32
      %dma_wait3A_134 = tpu.memref_slice %arg2[%dma_wait3A_133] : memref<320000xi32, #tpu.memory_space<hbm>> -> memref<128xi32, #tpu.memory_space<hbm>>
      tpu.wait_dma2 semaphore(%arg18 : memref<!tpu.dma_semaphore, #tpu.memory_space<semaphore_mem>>) src(%dma_wait3A_134 : memref<128xi32, #tpu.memory_space<hbm>>) dst(%arg10 : memref<128xi32, #tpu.memory_space<vmem>>)
      %dma_wait3A_135 = arith.constant 0 : i32
      %dma_wait3A_136 = tpu.memref_slice %arg3[%dma_wait3A_135] : memref<320000xi32, #tpu.memory_space<hbm>> -> memref<128xi32, #tpu.memory_space<hbm>>
      %dma_wait3A_137 = arith.constant 0 : i32
      %dma_wait3A_138 = tpu.memref_slice %arg3[%dma_wait3A_137] : memref<320000xi32, #tpu.memory_space<hbm>> -> memref<128xi32, #tpu.memory_space<hbm>>
      tpu.wait_dma2 semaphore(%arg18 : memref<!tpu.dma_semaphore, #tpu.memory_space<semaphore_mem>>) src(%dma_wait3A_138 : memref<128xi32, #tpu.memory_space<hbm>>) dst(%arg12 : memref<128xi32, #tpu.memory_space<vmem>>)
      %mul3A_139 = arith.constant 2 : i32
      %mul3A_140 = arith.muli %scan3A_105, %mul3A_139 : i32
      %add3A_141 = arith.constant 0 : i32
      %add3A_142 = arith.addi %mul3A_140, %add3A_141 : i32
      %add3A_143 = arith.constant 2 : i32
      %add3A_144 = arith.addi %add3A_142, %add3A_143 : i32
      %mul3A_145 = arith.constant 128 : i32
      %mul3A_146 = arith.muli %add3A_144, %mul3A_145 : i32
      %add3A_147 = arith.addi %mul3A_2, %mul3A_146 : i32
      %dma_start3A_148 = tpu.memref_slice %arg2[%add3A_147] : memref<320000xi32, #tpu.memory_space<hbm>> -> memref<128xi32, #tpu.memory_space<hbm>>
      %dma_start3A_149 = tpu.memref_slice %arg2[%add3A_147] : memref<320000xi32, #tpu.memory_space<hbm>> -> memref<128xi32, #tpu.memory_space<hbm>>
      tpu.enqueue_dma source(%dma_start3A_149 : memref<128xi32, #tpu.memory_space<hbm>>) target(%arg10 : memref<128xi32, #tpu.memory_space<vmem>>) target_semaphore(%arg14 : memref<!tpu.dma_semaphore, #tpu.memory_space<semaphore_mem>>)
      %dma_start3A_150 = tpu.memref_slice %arg3[%add3A_147] : memref<320000xi32, #tpu.memory_space<hbm>> -> memref<128xi32, #tpu.memory_space<hbm>>
      %dma_start3A_151 = tpu.memref_slice %arg3[%add3A_147] : memref<320000xi32, #tpu.memory_space<hbm>> -> memref<128xi32, #tpu.memory_space<hbm>>
      tpu.enqueue_dma source(%dma_start3A_151 : memref<128xi32, #tpu.memory_space<hbm>>) target(%arg12 : memref<128xi32, #tpu.memory_space<vmem>>) target_semaphore(%arg15 : memref<!tpu.dma_semaphore, #tpu.memory_space<semaphore_mem>>)
      %dma_wait3A_152 = arith.constant 0 : i32
      %dma_wait3A_153 = tpu.memref_slice %arg2[%dma_wait3A_152] : memref<320000xi32, #tpu.memory_space<hbm>> -> memref<128xi32, #tpu.memory_space<hbm>>
      %dma_wait3A_154 = arith.constant 0 : i32
      %dma_wait3A_155 = tpu.memref_slice %arg2[%dma_wait3A_154] : memref<320000xi32, #tpu.memory_space<hbm>> -> memref<128xi32, #tpu.memory_space<hbm>>
      tpu.wait_dma2 semaphore(%arg19 : memref<!tpu.dma_semaphore, #tpu.memory_space<semaphore_mem>>) src(%dma_wait3A_155 : memref<128xi32, #tpu.memory_space<hbm>>) dst(%arg11 : memref<128xi32, #tpu.memory_space<vmem>>)
      %dma_wait3A_156 = arith.constant 0 : i32
      %dma_wait3A_157 = tpu.memref_slice %arg3[%dma_wait3A_156] : memref<320000xi32, #tpu.memory_space<hbm>> -> memref<128xi32, #tpu.memory_space<hbm>>
      %dma_wait3A_158 = arith.constant 0 : i32
      %dma_wait3A_159 = tpu.memref_slice %arg3[%dma_wait3A_158] : memref<320000xi32, #tpu.memory_space<hbm>> -> memref<128xi32, #tpu.memory_space<hbm>>
      tpu.wait_dma2 semaphore(%arg19 : memref<!tpu.dma_semaphore, #tpu.memory_space<semaphore_mem>>) src(%dma_wait3A_159 : memref<128xi32, #tpu.memory_space<hbm>>) dst(%arg13 : memref<128xi32, #tpu.memory_space<vmem>>)
      %mul3A_160 = arith.constant 2 : i32
      %mul3A_161 = arith.muli %scan3A_105, %mul3A_160 : i32
      %add3A_162 = arith.constant 1 : i32
      %add3A_163 = arith.addi %mul3A_161, %add3A_162 : i32
      %add3A_164 = arith.constant 2 : i32
      %add3A_165 = arith.addi %add3A_163, %add3A_164 : i32
      %mul3A_166 = arith.constant 128 : i32
      %mul3A_167 = arith.muli %add3A_165, %mul3A_166 : i32
      %add3A_168 = arith.addi %mul3A_2, %mul3A_167 : i32
      %dma_start3A_169 = tpu.memref_slice %arg2[%add3A_168] : memref<320000xi32, #tpu.memory_space<hbm>> -> memref<128xi32, #tpu.memory_space<hbm>>
      %dma_start3A_170 = tpu.memref_slice %arg2[%add3A_168] : memref<320000xi32, #tpu.memory_space<hbm>> -> memref<128xi32, #tpu.memory_space<hbm>>
      tpu.enqueue_dma source(%dma_start3A_170 : memref<128xi32, #tpu.memory_space<hbm>>) target(%arg11 : memref<128xi32, #tpu.memory_space<vmem>>) target_semaphore(%arg16 : memref<!tpu.dma_semaphore, #tpu.memory_space<semaphore_mem>>)
      %dma_start3A_171 = tpu.memref_slice %arg3[%add3A_168] : memref<320000xi32, #tpu.memory_space<hbm>> -> memref<128xi32, #tpu.memory_space<hbm>>
      %dma_start3A_172 = tpu.memref_slice %arg3[%add3A_168] : memref<320000xi32, #tpu.memory_space<hbm>> -> memref<128xi32, #tpu.memory_space<hbm>>
      tpu.enqueue_dma source(%dma_start3A_172 : memref<128xi32, #tpu.memory_space<hbm>>) target(%arg13 : memref<128xi32, #tpu.memory_space<vmem>>) target_semaphore(%arg17 : memref<!tpu.dma_semaphore, #tpu.memory_space<semaphore_mem>>)
      %scan3A_173 = arith.constant 0 : i32
      scf.yield %scan3A_173 : i32
    }
    %scan3A_62 = arith.constant 38 : i32
    %dma_wait3A = arith.constant 0 : i32
    %dma_wait3A_63 = tpu.memref_slice %arg2[%dma_wait3A] : memref<320000xi32, #tpu.memory_space<hbm>> -> memref<128xi32, #tpu.memory_space<hbm>>
    %dma_wait3A_64 = arith.constant 0 : i32
    %dma_wait3A_65 = tpu.memref_slice %arg2[%dma_wait3A_64] : memref<320000xi32, #tpu.memory_space<hbm>> -> memref<128xi32, #tpu.memory_space<hbm>>
    tpu.wait_dma2 semaphore(%arg14 : memref<!tpu.dma_semaphore, #tpu.memory_space<semaphore_mem>>) src(%dma_wait3A_65 : memref<128xi32, #tpu.memory_space<hbm>>) dst(%arg10 : memref<128xi32, #tpu.memory_space<vmem>>)
    %dma_wait3A_66 = arith.constant 0 : i32
    %dma_wait3A_67 = tpu.memref_slice %arg3[%dma_wait3A_66] : memref<320000xi32, #tpu.memory_space<hbm>> -> memref<128xi32, #tpu.memory_space<hbm>>
    %dma_wait3A_68 = arith.constant 0 : i32
    %dma_wait3A_69 = tpu.memref_slice %arg3[%dma_wait3A_68] : memref<320000xi32, #tpu.memory_space<hbm>> -> memref<128xi32, #tpu.memory_space<hbm>>
    tpu.wait_dma2 semaphore(%arg15 : memref<!tpu.dma_semaphore, #tpu.memory_space<semaphore_mem>>) src(%dma_wait3A_69 : memref<128xi32, #tpu.memory_space<hbm>>) dst(%arg12 : memref<128xi32, #tpu.memory_space<vmem>>)
    %dma_start3A_70 = arith.constant 0 : i32
    %dma_start3A_71 = tpu.memref_slice %arg6[%dma_start3A_70] : memref<10240xf32, #tpu.memory_space<vmem_shared>> -> memref<10240xf32, #tpu.memory_space<vmem_shared>>
    tpu.enqueue_indirect_dma source(%arg9 : memref<128xf32, #tpu.memory_space<vmem>>) target(%dma_start3A_71 : memref<10240xf32, #tpu.memory_space<vmem_shared>>) offsets(%arg10 : memref<128xi32, #tpu.memory_space<vmem>>) semaphore(%arg18 : memref<!tpu.dma_semaphore, #tpu.memory_space<semaphore_mem>>) {add = true}
    %dma_start3A_72 = arith.constant 0 : i32
    %dma_start3A_73 = tpu.memref_slice %arg7[%dma_start3A_72] : memref<10240xf32, #tpu.memory_space<vmem_shared>> -> memref<10240xf32, #tpu.memory_space<vmem_shared>>
    tpu.enqueue_indirect_dma source(%arg9 : memref<128xf32, #tpu.memory_space<vmem>>) target(%dma_start3A_73 : memref<10240xf32, #tpu.memory_space<vmem_shared>>) offsets(%arg12 : memref<128xi32, #tpu.memory_space<vmem>>) semaphore(%arg18 : memref<!tpu.dma_semaphore, #tpu.memory_space<semaphore_mem>>) {add = true}
    %dma_wait3A_74 = arith.constant 0 : i32
    %dma_wait3A_75 = tpu.memref_slice %arg2[%dma_wait3A_74] : memref<320000xi32, #tpu.memory_space<hbm>> -> memref<128xi32, #tpu.memory_space<hbm>>
    %dma_wait3A_76 = arith.constant 0 : i32
    %dma_wait3A_77 = tpu.memref_slice %arg2[%dma_wait3A_76] : memref<320000xi32, #tpu.memory_space<hbm>> -> memref<128xi32, #tpu.memory_space<hbm>>
    tpu.wait_dma2 semaphore(%arg16 : memref<!tpu.dma_semaphore, #tpu.memory_space<semaphore_mem>>) src(%dma_wait3A_77 : memref<128xi32, #tpu.memory_space<hbm>>) dst(%arg11 : memref<128xi32, #tpu.memory_space<vmem>>)
    %dma_wait3A_78 = arith.constant 0 : i32
    %dma_wait3A_79 = tpu.memref_slice %arg3[%dma_wait3A_78] : memref<320000xi32, #tpu.memory_space<hbm>> -> memref<128xi32, #tpu.memory_space<hbm>>
    %dma_wait3A_80 = arith.constant 0 : i32
    %dma_wait3A_81 = tpu.memref_slice %arg3[%dma_wait3A_80] : memref<320000xi32, #tpu.memory_space<hbm>> -> memref<128xi32, #tpu.memory_space<hbm>>
    tpu.wait_dma2 semaphore(%arg17 : memref<!tpu.dma_semaphore, #tpu.memory_space<semaphore_mem>>) src(%dma_wait3A_81 : memref<128xi32, #tpu.memory_space<hbm>>) dst(%arg13 : memref<128xi32, #tpu.memory_space<vmem>>)
    %dma_start3A_82 = arith.constant 0 : i32
    %dma_start3A_83 = tpu.memref_slice %arg6[%dma_start3A_82] : memref<10240xf32, #tpu.memory_space<vmem_shared>> -> memref<10240xf32, #tpu.memory_space<vmem_shared>>
    tpu.enqueue_indirect_dma source(%arg9 : memref<128xf32, #tpu.memory_space<vmem>>) target(%dma_start3A_83 : memref<10240xf32, #tpu.memory_space<vmem_shared>>) offsets(%arg11 : memref<128xi32, #tpu.memory_space<vmem>>) semaphore(%arg19 : memref<!tpu.dma_semaphore, #tpu.memory_space<semaphore_mem>>) {add = true}
    %dma_start3A_84 = arith.constant 0 : i32
    %dma_start3A_85 = tpu.memref_slice %arg7[%dma_start3A_84] : memref<10240xf32, #tpu.memory_space<vmem_shared>> -> memref<10240xf32, #tpu.memory_space<vmem_shared>>
    tpu.enqueue_indirect_dma source(%arg9 : memref<128xf32, #tpu.memory_space<vmem>>) target(%dma_start3A_85 : memref<10240xf32, #tpu.memory_space<vmem_shared>>) offsets(%arg13 : memref<128xi32, #tpu.memory_space<vmem>>) semaphore(%arg19 : memref<!tpu.dma_semaphore, #tpu.memory_space<semaphore_mem>>) {add = true}
    %dma_wait3A_86 = arith.constant 0 : i32
    %dma_wait3A_87 = tpu.memref_slice %arg2[%dma_wait3A_86] : memref<320000xi32, #tpu.memory_space<hbm>> -> memref<128xi32, #tpu.memory_space<hbm>>
    %dma_wait3A_88 = arith.constant 0 : i32
    %dma_wait3A_89 = tpu.memref_slice %arg2[%dma_wait3A_88] : memref<320000xi32, #tpu.memory_space<hbm>> -> memref<128xi32, #tpu.memory_space<hbm>>
    tpu.wait_dma2 semaphore(%arg18 : memref<!tpu.dma_semaphore, #tpu.memory_space<semaphore_mem>>) src(%dma_wait3A_89 : memref<128xi32, #tpu.memory_space<hbm>>) dst(%arg10 : memref<128xi32, #tpu.memory_space<vmem>>)
    %dma_wait3A_90 = arith.constant 0 : i32
    %dma_wait3A_91 = tpu.memref_slice %arg3[%dma_wait3A_90] : memref<320000xi32, #tpu.memory_space<hbm>> -> memref<128xi32, #tpu.memory_space<hbm>>
    %dma_wait3A_92 = arith.constant 0 : i32
    %dma_wait3A_93 = tpu.memref_slice %arg3[%dma_wait3A_92] : memref<320000xi32, #tpu.memory_space<hbm>> -> memref<128xi32, #tpu.memory_space<hbm>>
    tpu.wait_dma2 semaphore(%arg18 : memref<!tpu.dma_semaphore, #tpu.memory_space<semaphore_mem>>) src(%dma_wait3A_93 : memref<128xi32, #tpu.memory_space<hbm>>) dst(%arg12 : memref<128xi32, #tpu.memory_space<vmem>>)
    %dma_wait3A_94 = arith.constant 0 : i32
    %dma_wait3A_95 = tpu.memref_slice %arg2[%dma_wait3A_94] : memref<320000xi32, #tpu.memory_space<hbm>> -> memref<128xi32, #tpu.memory_space<hbm>>
    %dma_wait3A_96 = arith.constant 0 : i32
    %dma_wait3A_97 = tpu.memref_slice %arg2[%dma_wait3A_96] : memref<320000xi32, #tpu.memory_space<hbm>> -> memref<128xi32, #tpu.memory_space<hbm>>
    tpu.wait_dma2 semaphore(%arg19 : memref<!tpu.dma_semaphore, #tpu.memory_space<semaphore_mem>>) src(%dma_wait3A_97 : memref<128xi32, #tpu.memory_space<hbm>>) dst(%arg11 : memref<128xi32, #tpu.memory_space<vmem>>)
    %dma_wait3A_98 = arith.constant 0 : i32
    %dma_wait3A_99 = tpu.memref_slice %arg3[%dma_wait3A_98] : memref<320000xi32, #tpu.memory_space<hbm>> -> memref<128xi32, #tpu.memory_space<hbm>>
    %dma_wait3A_100 = arith.constant 0 : i32
    %dma_wait3A_101 = tpu.memref_slice %arg3[%dma_wait3A_100] : memref<320000xi32, #tpu.memory_space<hbm>> -> memref<128xi32, #tpu.memory_space<hbm>>
    tpu.wait_dma2 semaphore(%arg19 : memref<!tpu.dma_semaphore, #tpu.memory_space<semaphore_mem>>) src(%dma_wait3A_101 : memref<128xi32, #tpu.memory_space<hbm>>) dst(%arg13 : memref<128xi32, #tpu.memory_space<vmem>>)
    %add3A_102 = arith.constant 9984 : i32
    %add3A_103 = arith.addi %mul3A_2, %add3A_102 : i32
    "tpu.region"() ({
      %run_scoped3A = tpu.sem_alloc : memref<!tpu.dma_semaphore, #tpu.memory_space<semaphore_mem>>
      %dma_start3A_105 = tpu.memref_slice %arg2[%add3A_103] : memref<320000xi32, #tpu.memory_space<hbm>> -> memref<16xi32, #tpu.memory_space<hbm>>
      %dma_start3A_106 = tpu.memref_slice %arg2[%add3A_103] : memref<320000xi32, #tpu.memory_space<hbm>> -> memref<16xi32, #tpu.memory_space<hbm>>
      tpu.enqueue_dma source(%dma_start3A_106 : memref<16xi32, #tpu.memory_space<hbm>>) target(%arg20 : memref<16xi32, #tpu.memory_space<vmem>>) target_semaphore(%run_scoped3A : memref<!tpu.dma_semaphore, #tpu.memory_space<semaphore_mem>>)
      %dma_wait3A_107 = tpu.memref_slice %arg2[%add3A_103] : memref<320000xi32, #tpu.memory_space<hbm>> -> memref<16xi32, #tpu.memory_space<hbm>>
      %dma_wait3A_108 = tpu.memref_slice %arg2[%add3A_103] : memref<320000xi32, #tpu.memory_space<hbm>> -> memref<16xi32, #tpu.memory_space<hbm>>
      tpu.wait_dma2 semaphore(%run_scoped3A : memref<!tpu.dma_semaphore, #tpu.memory_space<semaphore_mem>>) src(%dma_wait3A_108 : memref<16xi32, #tpu.memory_space<hbm>>) dst(%arg20 : memref<16xi32, #tpu.memory_space<vmem>>)
      tpu.yield
    }) : () -> ()
    "tpu.region"() ({
      %run_scoped3A = tpu.sem_alloc : memref<!tpu.dma_semaphore, #tpu.memory_space<semaphore_mem>>
      %dma_start3A_105 = tpu.memref_slice %arg3[%add3A_103] : memref<320000xi32, #tpu.memory_space<hbm>> -> memref<16xi32, #tpu.memory_space<hbm>>
      %dma_start3A_106 = tpu.memref_slice %arg3[%add3A_103] : memref<320000xi32, #tpu.memory_space<hbm>> -> memref<16xi32, #tpu.memory_space<hbm>>
      tpu.enqueue_dma source(%dma_start3A_106 : memref<16xi32, #tpu.memory_space<hbm>>) target(%arg21 : memref<16xi32, #tpu.memory_space<vmem>>) target_semaphore(%run_scoped3A : memref<!tpu.dma_semaphore, #tpu.memory_space<semaphore_mem>>)
      %dma_wait3A_107 = tpu.memref_slice %arg3[%add3A_103] : memref<320000xi32, #tpu.memory_space<hbm>> -> memref<16xi32, #tpu.memory_space<hbm>>
      %dma_wait3A_108 = tpu.memref_slice %arg3[%add3A_103] : memref<320000xi32, #tpu.memory_space<hbm>> -> memref<16xi32, #tpu.memory_space<hbm>>
      tpu.wait_dma2 semaphore(%run_scoped3A : memref<!tpu.dma_semaphore, #tpu.memory_space<semaphore_mem>>) src(%dma_wait3A_108 : memref<16xi32, #tpu.memory_space<hbm>>) dst(%arg21 : memref<16xi32, #tpu.memory_space<vmem>>)
      tpu.yield
    }) : () -> ()
    "tpu.region"() ({
      %run_scoped3A = tpu.sem_alloc : memref<!tpu.dma_semaphore, #tpu.memory_space<semaphore_mem>>
      %dma_start3A_105 = arith.constant 0 : i32
      %dma_start3A_106 = tpu.memref_slice %arg9[%dma_start3A_105] : memref<128xf32, #tpu.memory_space<vmem>> -> memref<16xf32, #tpu.memory_space<vmem>>
      %dma_start3A_107 = arith.constant 0 : i32
      %dma_start3A_108 = tpu.memref_slice %arg6[%dma_start3A_107] : memref<10240xf32, #tpu.memory_space<vmem_shared>> -> memref<10240xf32, #tpu.memory_space<vmem_shared>>
      tpu.enqueue_indirect_dma source(%dma_start3A_106 : memref<16xf32, #tpu.memory_space<vmem>>) target(%dma_start3A_108 : memref<10240xf32, #tpu.memory_space<vmem_shared>>) offsets(%arg20 : memref<16xi32, #tpu.memory_space<vmem>>) semaphore(%run_scoped3A : memref<!tpu.dma_semaphore, #tpu.memory_space<semaphore_mem>>) {add = true}
      %dma_wait3A_109 = arith.constant 0 : i32
      %dma_wait3A_110 = tpu.memref_slice %arg9[%dma_wait3A_109] : memref<128xf32, #tpu.memory_space<vmem>> -> memref<16xf32, #tpu.memory_space<vmem>>
      %dma_wait3A_111 = arith.constant 0 : i32
      %dma_wait3A_112 = tpu.memref_slice %arg6[%dma_wait3A_111] : memref<10240xf32, #tpu.memory_space<vmem_shared>> -> memref<10240xf32, #tpu.memory_space<vmem_shared>>
      tpu.wait_indirect_dma semaphore(%run_scoped3A : memref<!tpu.dma_semaphore, #tpu.memory_space<semaphore_mem>>) src(%dma_wait3A_110 : memref<16xf32, #tpu.memory_space<vmem>>) dst(%dma_wait3A_112 : memref<10240xf32, #tpu.memory_space<vmem_shared>>)
      tpu.yield
    }) : () -> ()
    "tpu.region"() ({
      %run_scoped3A = tpu.sem_alloc : memref<!tpu.dma_semaphore, #tpu.memory_space<semaphore_mem>>
      %dma_start3A_105 = arith.constant 0 : i32
      %dma_start3A_106 = tpu.memref_slice %arg9[%dma_start3A_105] : memref<128xf32, #tpu.memory_space<vmem>> -> memref<16xf32, #tpu.memory_space<vmem>>
      %dma_start3A_107 = arith.constant 0 : i32
      %dma_start3A_108 = tpu.memref_slice %arg7[%dma_start3A_107] : memref<10240xf32, #tpu.memory_space<vmem_shared>> -> memref<10240xf32, #tpu.memory_space<vmem_shared>>
      tpu.enqueue_indirect_dma source(%dma_start3A_106 : memref<16xf32, #tpu.memory_space<vmem>>) target(%dma_start3A_108 : memref<10240xf32, #tpu.memory_space<vmem_shared>>) offsets(%arg21 : memref<16xi32, #tpu.memory_space<vmem>>) semaphore(%run_scoped3A : memref<!tpu.dma_semaphore, #tpu.memory_space<semaphore_mem>>) {add = true}
      %dma_wait3A_109 = arith.constant 0 : i32
      %dma_wait3A_110 = tpu.memref_slice %arg9[%dma_wait3A_109] : memref<128xf32, #tpu.memory_space<vmem>> -> memref<16xf32, #tpu.memory_space<vmem>>
      %dma_wait3A_111 = arith.constant 0 : i32
      %dma_wait3A_112 = tpu.memref_slice %arg7[%dma_wait3A_111] : memref<10240xf32, #tpu.memory_space<vmem_shared>> -> memref<10240xf32, #tpu.memory_space<vmem_shared>>
      tpu.wait_indirect_dma semaphore(%run_scoped3A : memref<!tpu.dma_semaphore, #tpu.memory_space<semaphore_mem>>) src(%dma_wait3A_110 : memref<16xf32, #tpu.memory_space<vmem>>) dst(%dma_wait3A_112 : memref<10240xf32, #tpu.memory_space<vmem_shared>>)
      tpu.yield
    }) : () -> ()
    %barrier3A_104 = arith.constant 0 : index
    tpu.barrier barrier_id(%barrier3A_104)
    "tpu.region"() ({
      %run_scoped3A = tpu.sem_alloc : memref<!tpu.dma_semaphore, #tpu.memory_space<semaphore_mem>>
      %dma_start3A_105 = tpu.memref_slice %arg4[%arg0, %mul3A_4] : memref<2x10240xf32, #tpu.memory_space<hbm>> -> memref<1x640xf32, #tpu.memory_space<hbm>>
      %dma_start3A_106 = tpu.memref_squeeze %dma_start3A_105 : memref<1x640xf32, #tpu.memory_space<hbm>> -> memref<640xf32, #tpu.memory_space<hbm>>
      %dma_start3A_107 = tpu.memref_slice %arg6[%mul3A_4] : memref<10240xf32, #tpu.memory_space<vmem_shared>> -> memref<640xf32, #tpu.memory_space<vmem_shared>>
      tpu.enqueue_dma source(%dma_start3A_107 : memref<640xf32, #tpu.memory_space<vmem_shared>>) target(%dma_start3A_106 : memref<640xf32, #tpu.memory_space<hbm>>) target_semaphore(%run_scoped3A : memref<!tpu.dma_semaphore, #tpu.memory_space<semaphore_mem>>)
      %dma_wait3A_108 = tpu.memref_slice %arg4[%arg0, %mul3A_4] : memref<2x10240xf32, #tpu.memory_space<hbm>> -> memref<1x640xf32, #tpu.memory_space<hbm>>
      %dma_wait3A_109 = tpu.memref_squeeze %dma_wait3A_108 : memref<1x640xf32, #tpu.memory_space<hbm>> -> memref<640xf32, #tpu.memory_space<hbm>>
      %dma_wait3A_110 = tpu.memref_slice %arg6[%mul3A_4] : memref<10240xf32, #tpu.memory_space<vmem_shared>> -> memref<640xf32, #tpu.memory_space<vmem_shared>>
      tpu.wait_dma2 semaphore(%run_scoped3A : memref<!tpu.dma_semaphore, #tpu.memory_space<semaphore_mem>>) src(%dma_wait3A_110 : memref<640xf32, #tpu.memory_space<vmem_shared>>) dst(%dma_wait3A_109 : memref<640xf32, #tpu.memory_space<hbm>>)
      tpu.yield
    }) : () -> ()
    "tpu.region"() ({
      %run_scoped3A = tpu.sem_alloc : memref<!tpu.dma_semaphore, #tpu.memory_space<semaphore_mem>>
      %dma_start3A_105 = tpu.memref_slice %arg5[%arg0, %mul3A_4] : memref<2x10240xf32, #tpu.memory_space<hbm>> -> memref<1x640xf32, #tpu.memory_space<hbm>>
      %dma_start3A_106 = tpu.memref_squeeze %dma_start3A_105 : memref<1x640xf32, #tpu.memory_space<hbm>> -> memref<640xf32, #tpu.memory_space<hbm>>
      %dma_start3A_107 = tpu.memref_slice %arg7[%mul3A_4] : memref<10240xf32, #tpu.memory_space<vmem_shared>> -> memref<640xf32, #tpu.memory_space<vmem_shared>>
      tpu.enqueue_dma source(%dma_start3A_107 : memref<640xf32, #tpu.memory_space<vmem_shared>>) target(%dma_start3A_106 : memref<640xf32, #tpu.memory_space<hbm>>) target_semaphore(%run_scoped3A : memref<!tpu.dma_semaphore, #tpu.memory_space<semaphore_mem>>)
      %dma_wait3A_108 = tpu.memref_slice %arg5[%arg0, %mul3A_4] : memref<2x10240xf32, #tpu.memory_space<hbm>> -> memref<1x640xf32, #tpu.memory_space<hbm>>
      %dma_wait3A_109 = tpu.memref_squeeze %dma_wait3A_108 : memref<1x640xf32, #tpu.memory_space<hbm>> -> memref<640xf32, #tpu.memory_space<hbm>>
      %dma_wait3A_110 = tpu.memref_slice %arg7[%mul3A_4] : memref<10240xf32, #tpu.memory_space<vmem_shared>> -> memref<640xf32, #tpu.memory_space<vmem_shared>>
      tpu.wait_dma2 semaphore(%run_scoped3A : memref<!tpu.dma_semaphore, #tpu.memory_space<semaphore_mem>>) src(%dma_wait3A_110 : memref<640xf32, #tpu.memory_space<vmem_shared>>) dst(%dma_wait3A_109 : memref<640xf32, #tpu.memory_space<hbm>>)
      tpu.yield
    }) : () -> ()
    return
  }
}

#map = affine_map<(d0, d1) -> (0, 0)>
#map1 = affine_map<(d0, d1) -> (0)>
#map2 = affine_map<(d0, d1) -> (0, 0, 0)>
module attributes {stable_mosaic.version = 14 : i64} {
  func.func @edges(%arg0: i32, %arg1: i32, %arg2: memref<10000x128xf32, #tpu.memory_space<hbm>>, %arg3: memref<320000xi32, #tpu.memory_space<hbm>>, %arg4: memref<320000xi32, #tpu.memory_space<hbm>>, %arg5: memref<2x10240x128xf32, #tpu.memory_space<hbm>>, %arg6: memref<10240x128xf32, #tpu.memory_space<vmem_shared>>, %arg7: memref<10000xi32, #tpu.memory_space<vmem>>, %arg8: memref<128x128xf32, #tpu.memory_space<vmem>>, %arg9: memref<128x128xf32, #tpu.memory_space<vmem>>, %arg10: memref<128xi32, #tpu.memory_space<vmem>>, %arg11: memref<128xi32, #tpu.memory_space<vmem>>, %arg12: memref<!tpu.dma_semaphore, #tpu.memory_space<semaphore_mem>>, %arg13: memref<!tpu.dma_semaphore, #tpu.memory_space<semaphore_mem>>, %arg14: memref<!tpu.dma_semaphore, #tpu.memory_space<semaphore_mem>>, %arg15: memref<!tpu.dma_semaphore, #tpu.memory_space<semaphore_mem>>, %arg16: memref<16x128xf32, #tpu.memory_space<vmem>>, %arg17: memref<16xi32, #tpu.memory_space<vmem>>) attributes {dimension_semantics = [#tpu.dimension_semantics<core_parallel>, #tpu.dimension_semantics<subcore_parallel>], iteration_bounds = array<i64: 2, 16>, scalar_prefetch = 0 : i64, scratch_operands = 12 : i64, tpu.core_type = #tpu.core_type<sc_vector_subcore>, window_params = [{transform_indices = #map}, {transform_indices = #map1}, {transform_indices = #map1}, {transform_indices = #map2}]} {
    %mul3A = arith.constant 16 : i32
    %mul3A_0 = arith.muli %arg0, %mul3A : i32
    %add3A = arith.addi %mul3A_0, %arg1 : i32
    %mul3A_1 = arith.constant 10000 : i32
    %mul3A_2 = arith.muli %add3A, %mul3A_1 : i32
    %broadcast_in_dim3A = arith.constant 0.000000e+00 : f32
    %broadcast_in_dim3A_3 = vector.broadcast %broadcast_in_dim3A : f32 to vector<16xf32>
    %scan3A = arith.constant 0 : i32
    %scan3A_4 = arith.constant 0 : i32
    %scan3A_5 = arith.constant 128 : i32
    %scan3A_6 = arith.addi %scan3A_4, %scan3A_5 : i32
    %scan3A_7 = arith.constant 1 : i32
    %scan3A_8 = scf.for %scan3A_88 = %scan3A_4 to %scan3A_6 step %scan3A_7 iter_args(%scan3A_89 = %scan3A) -> (i32)  : i32 {
      %swap3A = arith.index_cast %scan3A_88 : i32 to index
      %swap3A_90 = arith.constant 0 : index
      %swap3A_91 = tpu.vector_load %arg8[%swap3A, %swap3A_90] {strides = array<i32>} : memref<128x128xf32, #tpu.memory_space<vmem>>, vector<1x16xf32>,
      %swap3A_92 = vector.shape_cast %swap3A_91 : vector<1x16xf32> to vector<16xf32>
      %swap3A_93 = vector.shape_cast %broadcast_in_dim3A_3 : vector<16xf32> to vector<1x16xf32>
      tpu.vector_store %arg8[%swap3A, %swap3A_90], %swap3A_93 {strides = array<i32>} : memref<128x128xf32, #tpu.memory_space<vmem>>, vector<1x16xf32>,
      %swap3A_94 = arith.index_cast %scan3A_88 : i32 to index
      %swap3A_95 = arith.constant 16 : index
      %swap3A_96 = tpu.vector_load %arg8[%swap3A_94, %swap3A_95] {strides = array<i32>} : memref<128x128xf32, #tpu.memory_space<vmem>>, vector<1x16xf32>,
      %swap3A_97 = vector.shape_cast %swap3A_96 : vector<1x16xf32> to vector<16xf32>
      %swap3A_98 = vector.shape_cast %broadcast_in_dim3A_3 : vector<16xf32> to vector<1x16xf32>
      tpu.vector_store %arg8[%swap3A_94, %swap3A_95], %swap3A_98 {strides = array<i32>} : memref<128x128xf32, #tpu.memory_space<vmem>>, vector<1x16xf32>,
      %swap3A_99 = arith.index_cast %scan3A_88 : i32 to index
      %swap3A_100 = arith.constant 32 : index
      %swap3A_101 = tpu.vector_load %arg8[%swap3A_99, %swap3A_100] {strides = array<i32>} : memref<128x128xf32, #tpu.memory_space<vmem>>, vector<1x16xf32>,
      %swap3A_102 = vector.shape_cast %swap3A_101 : vector<1x16xf32> to vector<16xf32>
      %swap3A_103 = vector.shape_cast %broadcast_in_dim3A_3 : vector<16xf32> to vector<1x16xf32>
      tpu.vector_store %arg8[%swap3A_99, %swap3A_100], %swap3A_103 {strides = array<i32>} : memref<128x128xf32, #tpu.memory_space<vmem>>, vector<1x16xf32>,
      %swap3A_104 = arith.index_cast %scan3A_88 : i32 to index
      %swap3A_105 = arith.constant 48 : index
      %swap3A_106 = tpu.vector_load %arg8[%swap3A_104, %swap3A_105] {strides = array<i32>} : memref<128x128xf32, #tpu.memory_space<vmem>>, vector<1x16xf32>,
      %swap3A_107 = vector.shape_cast %swap3A_106 : vector<1x16xf32> to vector<16xf32>
      %swap3A_108 = vector.shape_cast %broadcast_in_dim3A_3 : vector<16xf32> to vector<1x16xf32>
      tpu.vector_store %arg8[%swap3A_104, %swap3A_105], %swap3A_108 {strides = array<i32>} : memref<128x128xf32, #tpu.memory_space<vmem>>, vector<1x16xf32>,
      %swap3A_109 = arith.index_cast %scan3A_88 : i32 to index
      %swap3A_110 = arith.constant 64 : index
      %swap3A_111 = tpu.vector_load %arg8[%swap3A_109, %swap3A_110] {strides = array<i32>} : memref<128x128xf32, #tpu.memory_space<vmem>>, vector<1x16xf32>,
      %swap3A_112 = vector.shape_cast %swap3A_111 : vector<1x16xf32> to vector<16xf32>
      %swap3A_113 = vector.shape_cast %broadcast_in_dim3A_3 : vector<16xf32> to vector<1x16xf32>
      tpu.vector_store %arg8[%swap3A_109, %swap3A_110], %swap3A_113 {strides = array<i32>} : memref<128x128xf32, #tpu.memory_space<vmem>>, vector<1x16xf32>,
      %swap3A_114 = arith.index_cast %scan3A_88 : i32 to index
      %swap3A_115 = arith.constant 80 : index
      %swap3A_116 = tpu.vector_load %arg8[%swap3A_114, %swap3A_115] {strides = array<i32>} : memref<128x128xf32, #tpu.memory_space<vmem>>, vector<1x16xf32>,
      %swap3A_117 = vector.shape_cast %swap3A_116 : vector<1x16xf32> to vector<16xf32>
      %swap3A_118 = vector.shape_cast %broadcast_in_dim3A_3 : vector<16xf32> to vector<1x16xf32>
      tpu.vector_store %arg8[%swap3A_114, %swap3A_115], %swap3A_118 {strides = array<i32>} : memref<128x128xf32, #tpu.memory_space<vmem>>, vector<1x16xf32>,
      %swap3A_119 = arith.index_cast %scan3A_88 : i32 to index
      %swap3A_120 = arith.constant 96 : index
      %swap3A_121 = tpu.vector_load %arg8[%swap3A_119, %swap3A_120] {strides = array<i32>} : memref<128x128xf32, #tpu.memory_space<vmem>>, vector<1x16xf32>,
      %swap3A_122 = vector.shape_cast %swap3A_121 : vector<1x16xf32> to vector<16xf32>
      %swap3A_123 = vector.shape_cast %broadcast_in_dim3A_3 : vector<16xf32> to vector<1x16xf32>
      tpu.vector_store %arg8[%swap3A_119, %swap3A_120], %swap3A_123 {strides = array<i32>} : memref<128x128xf32, #tpu.memory_space<vmem>>, vector<1x16xf32>,
      %swap3A_124 = arith.index_cast %scan3A_88 : i32 to index
      %swap3A_125 = arith.constant 112 : index
      %swap3A_126 = tpu.vector_load %arg8[%swap3A_124, %swap3A_125] {strides = array<i32>} : memref<128x128xf32, #tpu.memory_space<vmem>>, vector<1x16xf32>,
      %swap3A_127 = vector.shape_cast %swap3A_126 : vector<1x16xf32> to vector<16xf32>
      %swap3A_128 = vector.shape_cast %broadcast_in_dim3A_3 : vector<16xf32> to vector<1x16xf32>
      tpu.vector_store %arg8[%swap3A_124, %swap3A_125], %swap3A_128 {strides = array<i32>} : memref<128x128xf32, #tpu.memory_space<vmem>>, vector<1x16xf32>,
      %scan3A_129 = arith.constant 0 : i32
      scf.yield %scan3A_129 : i32
    }
    %scan3A_9 = arith.constant 128 : i32
    %mul3A_10 = arith.constant 640 : i32
    %mul3A_11 = arith.muli %arg1, %mul3A_10 : i32
    %add3A_12 = arith.constant 0 : i32
    %add3A_13 = arith.addi %mul3A_11, %add3A_12 : i32
    "tpu.region"() ({
      %run_scoped3A = tpu.sem_alloc : memref<!tpu.dma_semaphore, #tpu.memory_space<semaphore_mem>>
      %dma_start3A_88 = arith.constant 0 : i32
      %dma_start3A_89 = tpu.memref_slice %arg6[%add3A_13, %dma_start3A_88] : memref<10240x128xf32, #tpu.memory_space<vmem_shared>> -> memref<128x128xf32, #tpu.memory_space<vmem_shared>>
      %dma_start3A_90 = arith.constant 0 : i32
      %dma_start3A_91 = tpu.memref_slice %arg6[%add3A_13, %dma_start3A_90] : memref<10240x128xf32, #tpu.memory_space<vmem_shared>> -> memref<128x128xf32, #tpu.memory_space<vmem_shared>>
      tpu.enqueue_dma source(%arg8 : memref<128x128xf32, #tpu.memory_space<vmem>>) target(%dma_start3A_91 : memref<128x128xf32, #tpu.memory_space<vmem_shared>>) target_semaphore(%run_scoped3A : memref<!tpu.dma_semaphore, #tpu.memory_space<semaphore_mem>>)
      %dma_wait3A_92 = arith.constant 0 : i32
      %dma_wait3A_93 = tpu.memref_slice %arg6[%add3A_13, %dma_wait3A_92] : memref<10240x128xf32, #tpu.memory_space<vmem_shared>> -> memref<128x128xf32, #tpu.memory_space<vmem_shared>>
      %dma_wait3A_94 = arith.constant 0 : i32
      %dma_wait3A_95 = tpu.memref_slice %arg6[%add3A_13, %dma_wait3A_94] : memref<10240x128xf32, #tpu.memory_space<vmem_shared>> -> memref<128x128xf32, #tpu.memory_space<vmem_shared>>
      tpu.wait_dma2 semaphore(%run_scoped3A : memref<!tpu.dma_semaphore, #tpu.memory_space<semaphore_mem>>) src(%arg8 : memref<128x128xf32, #tpu.memory_space<vmem>>) dst(%dma_wait3A_95 : memref<128x128xf32, #tpu.memory_space<vmem_shared>>)
      tpu.yield
    }) : () -> ()
    %mul3A_14 = arith.constant 640 : i32
    %mul3A_15 = arith.muli %arg1, %mul3A_14 : i32
    %add3A_16 = arith.constant 128 : i32
    %add3A_17 = arith.addi %mul3A_15, %add3A_16 : i32
    "tpu.region"() ({
      %run_scoped3A = tpu.sem_alloc : memref<!tpu.dma_semaphore, #tpu.memory_space<semaphore_mem>>
      %dma_start3A_88 = arith.constant 0 : i32
      %dma_start3A_89 = tpu.memref_slice %arg6[%add3A_17, %dma_start3A_88] : memref<10240x128xf32, #tpu.memory_space<vmem_shared>> -> memref<128x128xf32, #tpu.memory_space<vmem_shared>>
      %dma_start3A_90 = arith.constant 0 : i32
      %dma_start3A_91 = tpu.memref_slice %arg6[%add3A_17, %dma_start3A_90] : memref<10240x128xf32, #tpu.memory_space<vmem_shared>> -> memref<128x128xf32, #tpu.memory_space<vmem_shared>>
      tpu.enqueue_dma source(%arg8 : memref<128x128xf32, #tpu.memory_space<vmem>>) target(%dma_start3A_91 : memref<128x128xf32, #tpu.memory_space<vmem_shared>>) target_semaphore(%run_scoped3A : memref<!tpu.dma_semaphore, #tpu.memory_space<semaphore_mem>>)
      %dma_wait3A_92 = arith.constant 0 : i32
      %dma_wait3A_93 = tpu.memref_slice %arg6[%add3A_17, %dma_wait3A_92] : memref<10240x128xf32, #tpu.memory_space<vmem_shared>> -> memref<128x128xf32, #tpu.memory_space<vmem_shared>>
      %dma_wait3A_94 = arith.constant 0 : i32
      %dma_wait3A_95 = tpu.memref_slice %arg6[%add3A_17, %dma_wait3A_94] : memref<10240x128xf32, #tpu.memory_space<vmem_shared>> -> memref<128x128xf32, #tpu.memory_space<vmem_shared>>
      tpu.wait_dma2 semaphore(%run_scoped3A : memref<!tpu.dma_semaphore, #tpu.memory_space<semaphore_mem>>) src(%arg8 : memref<128x128xf32, #tpu.memory_space<vmem>>) dst(%dma_wait3A_95 : memref<128x128xf32, #tpu.memory_space<vmem_shared>>)
      tpu.yield
    }) : () -> ()
    %mul3A_18 = arith.constant 640 : i32
    %mul3A_19 = arith.muli %arg1, %mul3A_18 : i32
    %add3A_20 = arith.constant 256 : i32
    %add3A_21 = arith.addi %mul3A_19, %add3A_20 : i32
    "tpu.region"() ({
      %run_scoped3A = tpu.sem_alloc : memref<!tpu.dma_semaphore, #tpu.memory_space<semaphore_mem>>
      %dma_start3A_88 = arith.constant 0 : i32
      %dma_start3A_89 = tpu.memref_slice %arg6[%add3A_21, %dma_start3A_88] : memref<10240x128xf32, #tpu.memory_space<vmem_shared>> -> memref<128x128xf32, #tpu.memory_space<vmem_shared>>
      %dma_start3A_90 = arith.constant 0 : i32
      %dma_start3A_91 = tpu.memref_slice %arg6[%add3A_21, %dma_start3A_90] : memref<10240x128xf32, #tpu.memory_space<vmem_shared>> -> memref<128x128xf32, #tpu.memory_space<vmem_shared>>
      tpu.enqueue_dma source(%arg8 : memref<128x128xf32, #tpu.memory_space<vmem>>) target(%dma_start3A_91 : memref<128x128xf32, #tpu.memory_space<vmem_shared>>) target_semaphore(%run_scoped3A : memref<!tpu.dma_semaphore, #tpu.memory_space<semaphore_mem>>)
      %dma_wait3A_92 = arith.constant 0 : i32
      %dma_wait3A_93 = tpu.memref_slice %arg6[%add3A_21, %dma_wait3A_92] : memref<10240x128xf32, #tpu.memory_space<vmem_shared>> -> memref<128x128xf32, #tpu.memory_space<vmem_shared>>
      %dma_wait3A_94 = arith.constant 0 : i32
      %dma_wait3A_95 = tpu.memref_slice %arg6[%add3A_21, %dma_wait3A_94] : memref<10240x128xf32, #tpu.memory_space<vmem_shared>> -> memref<128x128xf32, #tpu.memory_space<vmem_shared>>
      tpu.wait_dma2 semaphore(%run_scoped3A : memref<!tpu.dma_semaphore, #tpu.memory_space<semaphore_mem>>) src(%arg8 : memref<128x128xf32, #tpu.memory_space<vmem>>) dst(%dma_wait3A_95 : memref<128x128xf32, #tpu.memory_space<vmem_shared>>)
      tpu.yield
    }) : () -> ()
    %mul3A_22 = arith.constant 640 : i32
    %mul3A_23 = arith.muli %arg1, %mul3A_22 : i32
    %add3A_24 = arith.constant 384 : i32
    %add3A_25 = arith.addi %mul3A_23, %add3A_24 : i32
    "tpu.region"() ({
      %run_scoped3A = tpu.sem_alloc : memref<!tpu.dma_semaphore, #tpu.memory_space<semaphore_mem>>
      %dma_start3A_88 = arith.constant 0 : i32
      %dma_start3A_89 = tpu.memref_slice %arg6[%add3A_25, %dma_start3A_88] : memref<10240x128xf32, #tpu.memory_space<vmem_shared>> -> memref<128x128xf32, #tpu.memory_space<vmem_shared>>
      %dma_start3A_90 = arith.constant 0 : i32
      %dma_start3A_91 = tpu.memref_slice %arg6[%add3A_25, %dma_start3A_90] : memref<10240x128xf32, #tpu.memory_space<vmem_shared>> -> memref<128x128xf32, #tpu.memory_space<vmem_shared>>
      tpu.enqueue_dma source(%arg8 : memref<128x128xf32, #tpu.memory_space<vmem>>) target(%dma_start3A_91 : memref<128x128xf32, #tpu.memory_space<vmem_shared>>) target_semaphore(%run_scoped3A : memref<!tpu.dma_semaphore, #tpu.memory_space<semaphore_mem>>)
      %dma_wait3A_92 = arith.constant 0 : i32
      %dma_wait3A_93 = tpu.memref_slice %arg6[%add3A_25, %dma_wait3A_92] : memref<10240x128xf32, #tpu.memory_space<vmem_shared>> -> memref<128x128xf32, #tpu.memory_space<vmem_shared>>
      %dma_wait3A_94 = arith.constant 0 : i32
      %dma_wait3A_95 = tpu.memref_slice %arg6[%add3A_25, %dma_wait3A_94] : memref<10240x128xf32, #tpu.memory_space<vmem_shared>> -> memref<128x128xf32, #tpu.memory_space<vmem_shared>>
      tpu.wait_dma2 semaphore(%run_scoped3A : memref<!tpu.dma_semaphore, #tpu.memory_space<semaphore_mem>>) src(%arg8 : memref<128x128xf32, #tpu.memory_space<vmem>>) dst(%dma_wait3A_95 : memref<128x128xf32, #tpu.memory_space<vmem_shared>>)
      tpu.yield
    }) : () -> ()
    %mul3A_26 = arith.constant 640 : i32
    %mul3A_27 = arith.muli %arg1, %mul3A_26 : i32
    %add3A_28 = arith.constant 512 : i32
    %add3A_29 = arith.addi %mul3A_27, %add3A_28 : i32
    "tpu.region"() ({
      %run_scoped3A = tpu.sem_alloc : memref<!tpu.dma_semaphore, #tpu.memory_space<semaphore_mem>>
      %dma_start3A_88 = arith.constant 0 : i32
      %dma_start3A_89 = tpu.memref_slice %arg6[%add3A_29, %dma_start3A_88] : memref<10240x128xf32, #tpu.memory_space<vmem_shared>> -> memref<128x128xf32, #tpu.memory_space<vmem_shared>>
      %dma_start3A_90 = arith.constant 0 : i32
      %dma_start3A_91 = tpu.memref_slice %arg6[%add3A_29, %dma_start3A_90] : memref<10240x128xf32, #tpu.memory_space<vmem_shared>> -> memref<128x128xf32, #tpu.memory_space<vmem_shared>>
      tpu.enqueue_dma source(%arg8 : memref<128x128xf32, #tpu.memory_space<vmem>>) target(%dma_start3A_91 : memref<128x128xf32, #tpu.memory_space<vmem_shared>>) target_semaphore(%run_scoped3A : memref<!tpu.dma_semaphore, #tpu.memory_space<semaphore_mem>>)
      %dma_wait3A_92 = arith.constant 0 : i32
      %dma_wait3A_93 = tpu.memref_slice %arg6[%add3A_29, %dma_wait3A_92] : memref<10240x128xf32, #tpu.memory_space<vmem_shared>> -> memref<128x128xf32, #tpu.memory_space<vmem_shared>>
      %dma_wait3A_94 = arith.constant 0 : i32
      %dma_wait3A_95 = tpu.memref_slice %arg6[%add3A_29, %dma_wait3A_94] : memref<10240x128xf32, #tpu.memory_space<vmem_shared>> -> memref<128x128xf32, #tpu.memory_space<vmem_shared>>
      tpu.wait_dma2 semaphore(%run_scoped3A : memref<!tpu.dma_semaphore, #tpu.memory_space<semaphore_mem>>) src(%arg8 : memref<128x128xf32, #tpu.memory_space<vmem>>) dst(%dma_wait3A_95 : memref<128x128xf32, #tpu.memory_space<vmem_shared>>)
      tpu.yield
    }) : () -> ()
    "tpu.region"() ({
      %run_scoped3A = tpu.sem_alloc : memref<!tpu.dma_semaphore, #tpu.memory_space<semaphore_mem>>
      %dma_start3A_88 = tpu.memref_slice %arg3[%mul3A_2] : memref<320000xi32, #tpu.memory_space<hbm>> -> memref<10000xi32, #tpu.memory_space<hbm>>
      %dma_start3A_89 = tpu.memref_slice %arg3[%mul3A_2] : memref<320000xi32, #tpu.memory_space<hbm>> -> memref<10000xi32, #tpu.memory_space<hbm>>
      tpu.enqueue_dma source(%dma_start3A_89 : memref<10000xi32, #tpu.memory_space<hbm>>) target(%arg7 : memref<10000xi32, #tpu.memory_space<vmem>>) target_semaphore(%run_scoped3A : memref<!tpu.dma_semaphore, #tpu.memory_space<semaphore_mem>>)
      %dma_wait3A_90 = tpu.memref_slice %arg3[%mul3A_2] : memref<320000xi32, #tpu.memory_space<hbm>> -> memref<10000xi32, #tpu.memory_space<hbm>>
      %dma_wait3A_91 = tpu.memref_slice %arg3[%mul3A_2] : memref<320000xi32, #tpu.memory_space<hbm>> -> memref<10000xi32, #tpu.memory_space<hbm>>
      tpu.wait_dma2 semaphore(%run_scoped3A : memref<!tpu.dma_semaphore, #tpu.memory_space<semaphore_mem>>) src(%dma_wait3A_91 : memref<10000xi32, #tpu.memory_space<hbm>>) dst(%arg7 : memref<10000xi32, #tpu.memory_space<vmem>>)
      tpu.yield
    }) : () -> ()
    %barrier3A = arith.constant 0 : index
    tpu.barrier barrier_id(%barrier3A)
    %add3A_30 = arith.constant 0 : i32
    %add3A_31 = arith.addi %mul3A_2, %add3A_30 : i32
    %dma_start3A = tpu.memref_slice %arg4[%add3A_31] : memref<320000xi32, #tpu.memory_space<hbm>> -> memref<128xi32, #tpu.memory_space<hbm>>
    %dma_start3A_32 = tpu.memref_slice %arg4[%add3A_31] : memref<320000xi32, #tpu.memory_space<hbm>> -> memref<128xi32, #tpu.memory_space<hbm>>
    tpu.enqueue_dma source(%dma_start3A_32 : memref<128xi32, #tpu.memory_space<hbm>>) target(%arg10 : memref<128xi32, #tpu.memory_space<vmem>>) target_semaphore(%arg14 : memref<!tpu.dma_semaphore, #tpu.memory_space<semaphore_mem>>)
    %dma_start3A_33 = arith.constant 0 : i32
    %dma_start3A_34 = tpu.memref_slice %arg7[%dma_start3A_33] : memref<10000xi32, #tpu.memory_space<vmem>> -> memref<128xi32, #tpu.memory_space<vmem>>
    %dma_start3A_35 = arith.constant 0 : i32
    %dma_start3A_36 = arith.constant 0 : i32
    %dma_start3A_37 = tpu.memref_slice %arg2[%dma_start3A_35, %dma_start3A_36] : memref<10000x128xf32, #tpu.memory_space<hbm>> -> memref<10000x128xf32, #tpu.memory_space<hbm>>
    tpu.enqueue_indirect_dma source(%dma_start3A_37 : memref<10000x128xf32, #tpu.memory_space<hbm>>) target(%arg8 : memref<128x128xf32, #tpu.memory_space<vmem>>) offsets(%dma_start3A_34 : memref<128xi32, #tpu.memory_space<vmem>>) semaphore(%arg12 : memref<!tpu.dma_semaphore, #tpu.memory_space<semaphore_mem>>)
    %add3A_38 = arith.constant 128 : i32
    %add3A_39 = arith.addi %mul3A_2, %add3A_38 : i32
    %dma_start3A_40 = tpu.memref_slice %arg4[%add3A_39] : memref<320000xi32, #tpu.memory_space<hbm>> -> memref<128xi32, #tpu.memory_space<hbm>>
    %dma_start3A_41 = tpu.memref_slice %arg4[%add3A_39] : memref<320000xi32, #tpu.memory_space<hbm>> -> memref<128xi32, #tpu.memory_space<hbm>>
    tpu.enqueue_dma source(%dma_start3A_41 : memref<128xi32, #tpu.memory_space<hbm>>) target(%arg11 : memref<128xi32, #tpu.memory_space<vmem>>) target_semaphore(%arg15 : memref<!tpu.dma_semaphore, #tpu.memory_space<semaphore_mem>>)
    %dma_start3A_42 = arith.constant 128 : i32
    %dma_start3A_43 = tpu.memref_slice %arg7[%dma_start3A_42] : memref<10000xi32, #tpu.memory_space<vmem>> -> memref<128xi32, #tpu.memory_space<vmem>>
    %dma_start3A_44 = arith.constant 0 : i32
    %dma_start3A_45 = arith.constant 0 : i32
    %dma_start3A_46 = tpu.memref_slice %arg2[%dma_start3A_44, %dma_start3A_45] : memref<10000x128xf32, #tpu.memory_space<hbm>> -> memref<10000x128xf32, #tpu.memory_space<hbm>>
    tpu.enqueue_indirect_dma source(%dma_start3A_46 : memref<10000x128xf32, #tpu.memory_space<hbm>>) target(%arg9 : memref<128x128xf32, #tpu.memory_space<vmem>>) offsets(%dma_start3A_43 : memref<128xi32, #tpu.memory_space<vmem>>) semaphore(%arg13 : memref<!tpu.dma_semaphore, #tpu.memory_space<semaphore_mem>>)
    %scan3A_47 = arith.constant 0 : i32
    %scan3A_48 = arith.constant 0 : i32
    %scan3A_49 = arith.constant 38 : i32
    %scan3A_50 = arith.addi %scan3A_48, %scan3A_49 : i32
    %scan3A_51 = arith.constant 1 : i32
    %scan3A_52 = scf.for %scan3A_88 = %scan3A_48 to %scan3A_50 step %scan3A_51 iter_args(%scan3A_89 = %scan3A_47) -> (i32)  : i32 {
      %mul3A_90 = arith.constant 2 : i32
      %mul3A_91 = arith.muli %scan3A_88, %mul3A_90 : i32
      %add3A_92 = arith.constant 0 : i32
      %add3A_93 = arith.addi %mul3A_91, %add3A_92 : i32
      %dma_wait3A_94 = arith.constant 0 : i32
      %dma_wait3A_95 = tpu.memref_slice %arg4[%dma_wait3A_94] : memref<320000xi32, #tpu.memory_space<hbm>> -> memref<128xi32, #tpu.memory_space<hbm>>
      %dma_wait3A_96 = arith.constant 0 : i32
      %dma_wait3A_97 = tpu.memref_slice %arg4[%dma_wait3A_96] : memref<320000xi32, #tpu.memory_space<hbm>> -> memref<128xi32, #tpu.memory_space<hbm>>
      tpu.wait_dma2 semaphore(%arg14 : memref<!tpu.dma_semaphore, #tpu.memory_space<semaphore_mem>>) src(%dma_wait3A_97 : memref<128xi32, #tpu.memory_space<hbm>>) dst(%arg10 : memref<128xi32, #tpu.memory_space<vmem>>)
      %dma_wait3A_98 = arith.constant 0 : i32
      %dma_wait3A_99 = arith.constant 0 : i32
      %dma_wait3A_100 = tpu.memref_slice %arg2[%dma_wait3A_98, %dma_wait3A_99] : memref<10000x128xf32, #tpu.memory_space<hbm>> -> memref<128x128xf32, #tpu.memory_space<hbm>>
      %dma_wait3A_101 = arith.constant 0 : i32
      %dma_wait3A_102 = arith.constant 0 : i32
      %dma_wait3A_103 = tpu.memref_slice %arg2[%dma_wait3A_101, %dma_wait3A_102] : memref<10000x128xf32, #tpu.memory_space<hbm>> -> memref<128x128xf32, #tpu.memory_space<hbm>>
      tpu.wait_dma2 semaphore(%arg12 : memref<!tpu.dma_semaphore, #tpu.memory_space<semaphore_mem>>) src(%dma_wait3A_103 : memref<128x128xf32, #tpu.memory_space<hbm>>) dst(%arg8 : memref<128x128xf32, #tpu.memory_space<vmem>>)
      "tpu.region"() ({
        %run_scoped3A = tpu.sem_alloc : memref<!tpu.dma_semaphore, #tpu.memory_space<semaphore_mem>>
        %dma_start3A_145 = arith.constant 0 : i32
        %dma_start3A_146 = arith.constant 0 : i32
        %dma_start3A_147 = tpu.memref_slice %arg6[%dma_start3A_145, %dma_start3A_146] : memref<10240x128xf32, #tpu.memory_space<vmem_shared>> -> memref<10240x128xf32, #tpu.memory_space<vmem_shared>>
        tpu.enqueue_indirect_dma source(%arg8 : memref<128x128xf32, #tpu.memory_space<vmem>>) target(%dma_start3A_147 : memref<10240x128xf32, #tpu.memory_space<vmem_shared>>) offsets(%arg10 : memref<128xi32, #tpu.memory_space<vmem>>) semaphore(%run_scoped3A : memref<!tpu.dma_semaphore, #tpu.memory_space<semaphore_mem>>) {add = true}
        %dma_wait3A_148 = arith.constant 0 : i32
        %dma_wait3A_149 = arith.constant 0 : i32
        %dma_wait3A_150 = tpu.memref_slice %arg6[%dma_wait3A_148, %dma_wait3A_149] : memref<10240x128xf32, #tpu.memory_space<vmem_shared>> -> memref<10240x128xf32, #tpu.memory_space<vmem_shared>>
        tpu.wait_indirect_dma semaphore(%run_scoped3A : memref<!tpu.dma_semaphore, #tpu.memory_space<semaphore_mem>>) src(%arg8 : memref<128x128xf32, #tpu.memory_space<vmem>>) dst(%dma_wait3A_150 : memref<10240x128xf32, #tpu.memory_space<vmem_shared>>)
        tpu.yield
      }) : () -> ()
      %add3A_104 = arith.constant 2 : i32
      %add3A_105 = arith.addi %add3A_93, %add3A_104 : i32
      %mul3A_106 = arith.constant 128 : i32
      %mul3A_107 = arith.muli %add3A_105, %mul3A_106 : i32
      %add3A_108 = arith.addi %mul3A_2, %mul3A_107 : i32
      %dma_start3A_109 = tpu.memref_slice %arg4[%add3A_108] : memref<320000xi32, #tpu.memory_space<hbm>> -> memref<128xi32, #tpu.memory_space<hbm>>
      %dma_start3A_110 = tpu.memref_slice %arg4[%add3A_108] : memref<320000xi32, #tpu.memory_space<hbm>> -> memref<128xi32, #tpu.memory_space<hbm>>
      tpu.enqueue_dma source(%dma_start3A_110 : memref<128xi32, #tpu.memory_space<hbm>>) target(%arg10 : memref<128xi32, #tpu.memory_space<vmem>>) target_semaphore(%arg14 : memref<!tpu.dma_semaphore, #tpu.memory_space<semaphore_mem>>)
      %mul3A_111 = arith.constant 128 : i32
      %mul3A_112 = arith.muli %add3A_105, %mul3A_111 : i32
      %dma_start3A_113 = tpu.memref_slice %arg7[%mul3A_112] : memref<10000xi32, #tpu.memory_space<vmem>> -> memref<128xi32, #tpu.memory_space<vmem>>
      %dma_start3A_114 = arith.constant 0 : i32
      %dma_start3A_115 = arith.constant 0 : i32
      %dma_start3A_116 = tpu.memref_slice %arg2[%dma_start3A_114, %dma_start3A_115] : memref<10000x128xf32, #tpu.memory_space<hbm>> -> memref<10000x128xf32, #tpu.memory_space<hbm>>
      tpu.enqueue_indirect_dma source(%dma_start3A_116 : memref<10000x128xf32, #tpu.memory_space<hbm>>) target(%arg8 : memref<128x128xf32, #tpu.memory_space<vmem>>) offsets(%dma_start3A_113 : memref<128xi32, #tpu.memory_space<vmem>>) semaphore(%arg12 : memref<!tpu.dma_semaphore, #tpu.memory_space<semaphore_mem>>)
      %mul3A_117 = arith.constant 2 : i32
      %mul3A_118 = arith.muli %scan3A_88, %mul3A_117 : i32
      %add3A_119 = arith.constant 1 : i32
      %add3A_120 = arith.addi %mul3A_118, %add3A_119 : i32
      %dma_wait3A_121 = arith.constant 0 : i32
      %dma_wait3A_122 = tpu.memref_slice %arg4[%dma_wait3A_121] : memref<320000xi32, #tpu.memory_space<hbm>> -> memref<128xi32, #tpu.memory_space<hbm>>
      %dma_wait3A_123 = arith.constant 0 : i32
      %dma_wait3A_124 = tpu.memref_slice %arg4[%dma_wait3A_123] : memref<320000xi32, #tpu.memory_space<hbm>> -> memref<128xi32, #tpu.memory_space<hbm>>
      tpu.wait_dma2 semaphore(%arg15 : memref<!tpu.dma_semaphore, #tpu.memory_space<semaphore_mem>>) src(%dma_wait3A_124 : memref<128xi32, #tpu.memory_space<hbm>>) dst(%arg11 : memref<128xi32, #tpu.memory_space<vmem>>)
      %dma_wait3A_125 = arith.constant 0 : i32
      %dma_wait3A_126 = arith.constant 0 : i32
      %dma_wait3A_127 = tpu.memref_slice %arg2[%dma_wait3A_125, %dma_wait3A_126] : memref<10000x128xf32, #tpu.memory_space<hbm>> -> memref<128x128xf32, #tpu.memory_space<hbm>>
      %dma_wait3A_128 = arith.constant 0 : i32
      %dma_wait3A_129 = arith.constant 0 : i32
      %dma_wait3A_130 = tpu.memref_slice %arg2[%dma_wait3A_128, %dma_wait3A_129] : memref<10000x128xf32, #tpu.memory_space<hbm>> -> memref<128x128xf32, #tpu.memory_space<hbm>>
      tpu.wait_dma2 semaphore(%arg13 : memref<!tpu.dma_semaphore, #tpu.memory_space<semaphore_mem>>) src(%dma_wait3A_130 : memref<128x128xf32, #tpu.memory_space<hbm>>) dst(%arg9 : memref<128x128xf32, #tpu.memory_space<vmem>>)
      "tpu.region"() ({
        %run_scoped3A = tpu.sem_alloc : memref<!tpu.dma_semaphore, #tpu.memory_space<semaphore_mem>>
        %dma_start3A_145 = arith.constant 0 : i32
        %dma_start3A_146 = arith.constant 0 : i32
        %dma_start3A_147 = tpu.memref_slice %arg6[%dma_start3A_145, %dma_start3A_146] : memref<10240x128xf32, #tpu.memory_space<vmem_shared>> -> memref<10240x128xf32, #tpu.memory_space<vmem_shared>>
        tpu.enqueue_indirect_dma source(%arg9 : memref<128x128xf32, #tpu.memory_space<vmem>>) target(%dma_start3A_147 : memref<10240x128xf32, #tpu.memory_space<vmem_shared>>) offsets(%arg11 : memref<128xi32, #tpu.memory_space<vmem>>) semaphore(%run_scoped3A : memref<!tpu.dma_semaphore, #tpu.memory_space<semaphore_mem>>) {add = true}
        %dma_wait3A_148 = arith.constant 0 : i32
        %dma_wait3A_149 = arith.constant 0 : i32
        %dma_wait3A_150 = tpu.memref_slice %arg6[%dma_wait3A_148, %dma_wait3A_149] : memref<10240x128xf32, #tpu.memory_space<vmem_shared>> -> memref<10240x128xf32, #tpu.memory_space<vmem_shared>>
        tpu.wait_indirect_dma semaphore(%run_scoped3A : memref<!tpu.dma_semaphore, #tpu.memory_space<semaphore_mem>>) src(%arg9 : memref<128x128xf32, #tpu.memory_space<vmem>>) dst(%dma_wait3A_150 : memref<10240x128xf32, #tpu.memory_space<vmem_shared>>)
        tpu.yield
      }) : () -> ()
      %add3A_131 = arith.constant 2 : i32
      %add3A_132 = arith.addi %add3A_120, %add3A_131 : i32
      %mul3A_133 = arith.constant 128 : i32
      %mul3A_134 = arith.muli %add3A_132, %mul3A_133 : i32
      %add3A_135 = arith.addi %mul3A_2, %mul3A_134 : i32
      %dma_start3A_136 = tpu.memref_slice %arg4[%add3A_135] : memref<320000xi32, #tpu.memory_space<hbm>> -> memref<128xi32, #tpu.memory_space<hbm>>
      %dma_start3A_137 = tpu.memref_slice %arg4[%add3A_135] : memref<320000xi32, #tpu.memory_space<hbm>> -> memref<128xi32, #tpu.memory_space<hbm>>
      tpu.enqueue_dma source(%dma_start3A_137 : memref<128xi32, #tpu.memory_space<hbm>>) target(%arg11 : memref<128xi32, #tpu.memory_space<vmem>>) target_semaphore(%arg15 : memref<!tpu.dma_semaphore, #tpu.memory_space<semaphore_mem>>)
      %mul3A_138 = arith.constant 128 : i32
      %mul3A_139 = arith.muli %add3A_132, %mul3A_138 : i32
      %dma_start3A_140 = tpu.memref_slice %arg7[%mul3A_139] : memref<10000xi32, #tpu.memory_space<vmem>> -> memref<128xi32, #tpu.memory_space<vmem>>
      %dma_start3A_141 = arith.constant 0 : i32
      %dma_start3A_142 = arith.constant 0 : i32
      %dma_start3A_143 = tpu.memref_slice %arg2[%dma_start3A_141, %dma_start3A_142] : memref<10000x128xf32, #tpu.memory_space<hbm>> -> memref<10000x128xf32, #tpu.memory_space<hbm>>
      tpu.enqueue_indirect_dma source(%dma_start3A_143 : memref<10000x128xf32, #tpu.memory_space<hbm>>) target(%arg9 : memref<128x128xf32, #tpu.memory_space<vmem>>) offsets(%dma_start3A_140 : memref<128xi32, #tpu.memory_space<vmem>>) semaphore(%arg13 : memref<!tpu.dma_semaphore, #tpu.memory_space<semaphore_mem>>)
      %scan3A_144 = arith.constant 0 : i32
      scf.yield %scan3A_144 : i32
    }
    %scan3A_53 = arith.constant 38 : i32
    %dma_wait3A = arith.constant 0 : i32
    %dma_wait3A_54 = tpu.memref_slice %arg4[%dma_wait3A] : memref<320000xi32, #tpu.memory_space<hbm>> -> memref<128xi32, #tpu.memory_space<hbm>>
    %dma_wait3A_55 = arith.constant 0 : i32
    %dma_wait3A_56 = tpu.memref_slice %arg4[%dma_wait3A_55] : memref<320000xi32, #tpu.memory_space<hbm>> -> memref<128xi32, #tpu.memory_space<hbm>>
    tpu.wait_dma2 semaphore(%arg14 : memref<!tpu.dma_semaphore, #tpu.memory_space<semaphore_mem>>) src(%dma_wait3A_56 : memref<128xi32, #tpu.memory_space<hbm>>) dst(%arg10 : memref<128xi32, #tpu.memory_space<vmem>>)
    %dma_wait3A_57 = arith.constant 0 : i32
    %dma_wait3A_58 = arith.constant 0 : i32
    %dma_wait3A_59 = tpu.memref_slice %arg2[%dma_wait3A_57, %dma_wait3A_58] : memref<10000x128xf32, #tpu.memory_space<hbm>> -> memref<128x128xf32, #tpu.memory_space<hbm>>
    %dma_wait3A_60 = arith.constant 0 : i32
    %dma_wait3A_61 = arith.constant 0 : i32
    %dma_wait3A_62 = tpu.memref_slice %arg2[%dma_wait3A_60, %dma_wait3A_61] : memref<10000x128xf32, #tpu.memory_space<hbm>> -> memref<128x128xf32, #tpu.memory_space<hbm>>
    tpu.wait_dma2 semaphore(%arg12 : memref<!tpu.dma_semaphore, #tpu.memory_space<semaphore_mem>>) src(%dma_wait3A_62 : memref<128x128xf32, #tpu.memory_space<hbm>>) dst(%arg8 : memref<128x128xf32, #tpu.memory_space<vmem>>)
    "tpu.region"() ({
      %run_scoped3A = tpu.sem_alloc : memref<!tpu.dma_semaphore, #tpu.memory_space<semaphore_mem>>
      %dma_start3A_88 = arith.constant 0 : i32
      %dma_start3A_89 = arith.constant 0 : i32
      %dma_start3A_90 = tpu.memref_slice %arg6[%dma_start3A_88, %dma_start3A_89] : memref<10240x128xf32, #tpu.memory_space<vmem_shared>> -> memref<10240x128xf32, #tpu.memory_space<vmem_shared>>
      tpu.enqueue_indirect_dma source(%arg8 : memref<128x128xf32, #tpu.memory_space<vmem>>) target(%dma_start3A_90 : memref<10240x128xf32, #tpu.memory_space<vmem_shared>>) offsets(%arg10 : memref<128xi32, #tpu.memory_space<vmem>>) semaphore(%run_scoped3A : memref<!tpu.dma_semaphore, #tpu.memory_space<semaphore_mem>>) {add = true}
      %dma_wait3A_91 = arith.constant 0 : i32
      %dma_wait3A_92 = arith.constant 0 : i32
      %dma_wait3A_93 = tpu.memref_slice %arg6[%dma_wait3A_91, %dma_wait3A_92] : memref<10240x128xf32, #tpu.memory_space<vmem_shared>> -> memref<10240x128xf32, #tpu.memory_space<vmem_shared>>
      tpu.wait_indirect_dma semaphore(%run_scoped3A : memref<!tpu.dma_semaphore, #tpu.memory_space<semaphore_mem>>) src(%arg8 : memref<128x128xf32, #tpu.memory_space<vmem>>) dst(%dma_wait3A_93 : memref<10240x128xf32, #tpu.memory_space<vmem_shared>>)
      tpu.yield
    }) : () -> ()
    %dma_wait3A_63 = arith.constant 0 : i32
    %dma_wait3A_64 = tpu.memref_slice %arg4[%dma_wait3A_63] : memref<320000xi32, #tpu.memory_space<hbm>> -> memref<128xi32, #tpu.memory_space<hbm>>
    %dma_wait3A_65 = arith.constant 0 : i32
    %dma_wait3A_66 = tpu.memref_slice %arg4[%dma_wait3A_65] : memref<320000xi32, #tpu.memory_space<hbm>> -> memref<128xi32, #tpu.memory_space<hbm>>
    tpu.wait_dma2 semaphore(%arg15 : memref<!tpu.dma_semaphore, #tpu.memory_space<semaphore_mem>>) src(%dma_wait3A_66 : memref<128xi32, #tpu.memory_space<hbm>>) dst(%arg11 : memref<128xi32, #tpu.memory_space<vmem>>)
    %dma_wait3A_67 = arith.constant 0 : i32
    %dma_wait3A_68 = arith.constant 0 : i32
    %dma_wait3A_69 = tpu.memref_slice %arg2[%dma_wait3A_67, %dma_wait3A_68] : memref<10000x128xf32, #tpu.memory_space<hbm>> -> memref<128x128xf32, #tpu.memory_space<hbm>>
    %dma_wait3A_70 = arith.constant 0 : i32
    %dma_wait3A_71 = arith.constant 0 : i32
    %dma_wait3A_72 = tpu.memref_slice %arg2[%dma_wait3A_70, %dma_wait3A_71] : memref<10000x128xf32, #tpu.memory_space<hbm>> -> memref<128x128xf32, #tpu.memory_space<hbm>>
    tpu.wait_dma2 semaphore(%arg13 : memref<!tpu.dma_semaphore, #tpu.memory_space<semaphore_mem>>) src(%dma_wait3A_72 : memref<128x128xf32, #tpu.memory_space<hbm>>) dst(%arg9 : memref<128x128xf32, #tpu.memory_space<vmem>>)
    "tpu.region"() ({
      %run_scoped3A = tpu.sem_alloc : memref<!tpu.dma_semaphore, #tpu.memory_space<semaphore_mem>>
      %dma_start3A_88 = arith.constant 0 : i32
      %dma_start3A_89 = arith.constant 0 : i32
      %dma_start3A_90 = tpu.memref_slice %arg6[%dma_start3A_88, %dma_start3A_89] : memref<10240x128xf32, #tpu.memory_space<vmem_shared>> -> memref<10240x128xf32, #tpu.memory_space<vmem_shared>>
      tpu.enqueue_indirect_dma source(%arg9 : memref<128x128xf32, #tpu.memory_space<vmem>>) target(%dma_start3A_90 : memref<10240x128xf32, #tpu.memory_space<vmem_shared>>) offsets(%arg11 : memref<128xi32, #tpu.memory_space<vmem>>) semaphore(%run_scoped3A : memref<!tpu.dma_semaphore, #tpu.memory_space<semaphore_mem>>) {add = true}
      %dma_wait3A_91 = arith.constant 0 : i32
      %dma_wait3A_92 = arith.constant 0 : i32
      %dma_wait3A_93 = tpu.memref_slice %arg6[%dma_wait3A_91, %dma_wait3A_92] : memref<10240x128xf32, #tpu.memory_space<vmem_shared>> -> memref<10240x128xf32, #tpu.memory_space<vmem_shared>>
      tpu.wait_indirect_dma semaphore(%run_scoped3A : memref<!tpu.dma_semaphore, #tpu.memory_space<semaphore_mem>>) src(%arg9 : memref<128x128xf32, #tpu.memory_space<vmem>>) dst(%dma_wait3A_93 : memref<10240x128xf32, #tpu.memory_space<vmem_shared>>)
      tpu.yield
    }) : () -> ()
    %add3A_73 = arith.constant 9984 : i32
    %add3A_74 = arith.addi %mul3A_2, %add3A_73 : i32
    "tpu.region"() ({
      %run_scoped3A = tpu.sem_alloc : memref<!tpu.dma_semaphore, #tpu.memory_space<semaphore_mem>>
      %dma_start3A_88 = tpu.memref_slice %arg4[%add3A_74] : memref<320000xi32, #tpu.memory_space<hbm>> -> memref<16xi32, #tpu.memory_space<hbm>>
      %dma_start3A_89 = tpu.memref_slice %arg4[%add3A_74] : memref<320000xi32, #tpu.memory_space<hbm>> -> memref<16xi32, #tpu.memory_space<hbm>>
      tpu.enqueue_dma source(%dma_start3A_89 : memref<16xi32, #tpu.memory_space<hbm>>) target(%arg17 : memref<16xi32, #tpu.memory_space<vmem>>) target_semaphore(%run_scoped3A : memref<!tpu.dma_semaphore, #tpu.memory_space<semaphore_mem>>)
      %dma_wait3A_90 = tpu.memref_slice %arg4[%add3A_74] : memref<320000xi32, #tpu.memory_space<hbm>> -> memref<16xi32, #tpu.memory_space<hbm>>
      %dma_wait3A_91 = tpu.memref_slice %arg4[%add3A_74] : memref<320000xi32, #tpu.memory_space<hbm>> -> memref<16xi32, #tpu.memory_space<hbm>>
      tpu.wait_dma2 semaphore(%run_scoped3A : memref<!tpu.dma_semaphore, #tpu.memory_space<semaphore_mem>>) src(%dma_wait3A_91 : memref<16xi32, #tpu.memory_space<hbm>>) dst(%arg17 : memref<16xi32, #tpu.memory_space<vmem>>)
      tpu.yield
    }) : () -> ()
    %dma_start3A_75 = arith.constant 9984 : i32
    %dma_start3A_76 = tpu.memref_slice %arg7[%dma_start3A_75] : memref<10000xi32, #tpu.memory_space<vmem>> -> memref<16xi32, #tpu.memory_space<vmem>>
    %dma_start3A_77 = arith.constant 0 : i32
    %dma_start3A_78 = arith.constant 0 : i32
    %dma_start3A_79 = tpu.memref_slice %arg2[%dma_start3A_77, %dma_start3A_78] : memref<10000x128xf32, #tpu.memory_space<hbm>> -> memref<10000x128xf32, #tpu.memory_space<hbm>>
    tpu.enqueue_indirect_dma source(%dma_start3A_79 : memref<10000x128xf32, #tpu.memory_space<hbm>>) target(%arg16 : memref<16x128xf32, #tpu.memory_space<vmem>>) offsets(%dma_start3A_76 : memref<16xi32, #tpu.memory_space<vmem>>) semaphore(%arg12 : memref<!tpu.dma_semaphore, #tpu.memory_space<semaphore_mem>>)
    %dma_wait3A_80 = arith.constant 9984 : i32
    %dma_wait3A_81 = tpu.memref_slice %arg7[%dma_wait3A_80] : memref<10000xi32, #tpu.memory_space<vmem>> -> memref<16xi32, #tpu.memory_space<vmem>>
    %dma_wait3A_82 = arith.constant 0 : i32
    %dma_wait3A_83 = arith.constant 0 : i32
    %dma_wait3A_84 = tpu.memref_slice %arg2[%dma_wait3A_82, %dma_wait3A_83] : memref<10000x128xf32, #tpu.memory_space<hbm>> -> memref<10000x128xf32, #tpu.memory_space<hbm>>
    tpu.wait_indirect_dma semaphore(%arg12 : memref<!tpu.dma_semaphore, #tpu.memory_space<semaphore_mem>>) src(%dma_wait3A_84 : memref<10000x128xf32, #tpu.memory_space<hbm>>) dst(%arg16 : memref<16x128xf32, #tpu.memory_space<vmem>>)
    "tpu.region"() ({
      %run_scoped3A = tpu.sem_alloc : memref<!tpu.dma_semaphore, #tpu.memory_space<semaphore_mem>>
      %dma_start3A_88 = arith.constant 0 : i32
      %dma_start3A_89 = arith.constant 0 : i32
      %dma_start3A_90 = tpu.memref_slice %arg6[%dma_start3A_88, %dma_start3A_89] : memref<10240x128xf32, #tpu.memory_space<vmem_shared>> -> memref<10240x128xf32, #tpu.memory_space<vmem_shared>>
      tpu.enqueue_indirect_dma source(%arg16 : memref<16x128xf32, #tpu.memory_space<vmem>>) target(%dma_start3A_90 : memref<10240x128xf32, #tpu.memory_space<vmem_shared>>) offsets(%arg17 : memref<16xi32, #tpu.memory_space<vmem>>) semaphore(%run_scoped3A : memref<!tpu.dma_semaphore, #tpu.memory_space<semaphore_mem>>) {add = true}
      %dma_wait3A_91 = arith.constant 0 : i32
      %dma_wait3A_92 = arith.constant 0 : i32
      %dma_wait3A_93 = tpu.memref_slice %arg6[%dma_wait3A_91, %dma_wait3A_92] : memref<10240x128xf32, #tpu.memory_space<vmem_shared>> -> memref<10240x128xf32, #tpu.memory_space<vmem_shared>>
      tpu.wait_indirect_dma semaphore(%run_scoped3A : memref<!tpu.dma_semaphore, #tpu.memory_space<semaphore_mem>>) src(%arg16 : memref<16x128xf32, #tpu.memory_space<vmem>>) dst(%dma_wait3A_93 : memref<10240x128xf32, #tpu.memory_space<vmem_shared>>)
      tpu.yield
    }) : () -> ()
    %barrier3A_85 = arith.constant 0 : index
    tpu.barrier barrier_id(%barrier3A_85)
    %mul3A_86 = arith.constant 640 : i32
    %mul3A_87 = arith.muli %arg1, %mul3A_86 : i32
    "tpu.region"() ({
      %run_scoped3A = tpu.sem_alloc : memref<!tpu.dma_semaphore, #tpu.memory_space<semaphore_mem>>
      %dma_start3A_88 = arith.constant 0 : i32
      %dma_start3A_89 = tpu.memref_slice %arg5[%arg0, %mul3A_87, %dma_start3A_88] : memref<2x10240x128xf32, #tpu.memory_space<hbm>> -> memref<1x640x128xf32, #tpu.memory_space<hbm>>
      %dma_start3A_90 = tpu.memref_squeeze %dma_start3A_89 : memref<1x640x128xf32, #tpu.memory_space<hbm>> -> memref<640x128xf32, #tpu.memory_space<hbm>>
      %dma_start3A_91 = arith.constant 0 : i32
      %dma_start3A_92 = tpu.memref_slice %arg6[%mul3A_87, %dma_start3A_91] : memref<10240x128xf32, #tpu.memory_space<vmem_shared>> -> memref<640x128xf32, #tpu.memory_space<vmem_shared>>
      tpu.enqueue_dma source(%dma_start3A_92 : memref<640x128xf32, #tpu.memory_space<vmem_shared>>) target(%dma_start3A_90 : memref<640x128xf32, #tpu.memory_space<hbm>>) target_semaphore(%run_scoped3A : memref<!tpu.dma_semaphore, #tpu.memory_space<semaphore_mem>>)
      %dma_wait3A_93 = arith.constant 0 : i32
      %dma_wait3A_94 = tpu.memref_slice %arg5[%arg0, %mul3A_87, %dma_wait3A_93] : memref<2x10240x128xf32, #tpu.memory_space<hbm>> -> memref<1x640x128xf32, #tpu.memory_space<hbm>>
      %dma_wait3A_95 = tpu.memref_squeeze %dma_wait3A_94 : memref<1x640x128xf32, #tpu.memory_space<hbm>> -> memref<640x128xf32, #tpu.memory_space<hbm>>
      %dma_wait3A_96 = arith.constant 0 : i32
      %dma_wait3A_97 = tpu.memref_slice %arg6[%mul3A_87, %dma_wait3A_96] : memref<10240x128xf32, #tpu.memory_space<vmem_shared>> -> memref<640x128xf32, #tpu.memory_space<vmem_shared>>
      tpu.wait_dma2 semaphore(%run_scoped3A : memref<!tpu.dma_semaphore, #tpu.memory_space<semaphore_mem>>) src(%dma_wait3A_97 : memref<640x128xf32, #tpu.memory_space<vmem_shared>>) dst(%dma_wait3A_95 : memref<640x128xf32, #tpu.memory_space<hbm>>)
      tpu.yield
    }) : () -> ()
    return
  }
}

module attributes {stable_mosaic.version = 14 : i64} {
  func.func @_linear_body(%arg0: i32, %arg1: memref<2000x128xf32, #tpu.memory_space<vmem>>, %arg2: memref<128x128xf32, #tpu.memory_space<vmem>>, %arg3: memref<1x128xf32, #tpu.memory_space<vmem>>, %arg4: memref<2x2000x1xf32, #tpu.memory_space<vmem>>, %arg5: memref<2000x128xf32, #tpu.memory_space<vmem>>) attributes {dimension_semantics = [#tpu.dimension_semantics<arbitrary>], iteration_bounds = array<i64: 5>, scalar_prefetch = 0 : i64, scratch_operands = 0 : i64, tpu.core_type = #tpu.core_type<tc>, window_params = [{transform_indices = @transform_0, window_bounds = array<i64: 2000, 128>}, {pipeline_mode = #tpu.pipeline_mode<synchronous>, transform_indices = @transform_1, window_bounds = array<i64: 128, 128>}, {pipeline_mode = #tpu.pipeline_mode<synchronous>, transform_indices = @transform_2, window_bounds = array<i64: 1, 128>}, {transform_indices = @transform_3, window_bounds = array<i64: 2, 2000, 1>}, {transform_indices = @transform_4, window_bounds = array<i64: 2000, 128>}]} {
    %get3A = arith.constant 0 : index
    %get3A_0 = arith.constant 0 : index
    %get3A_1 = vector.load %arg1[%get3A, %get3A_0] : memref<2000x128xf32, #tpu.memory_space<vmem>>, vector<2000x128xf32>
    %get3A_2 = arith.constant 0 : index
    %get3A_3 = arith.constant 0 : index
    %get3A_4 = vector.load %arg2[%get3A_2, %get3A_3] : memref<128x128xf32, #tpu.memory_space<vmem>>, vector<128x128xf32>
    %dot_general3A = arith.constant dense<0.000000e+00> : vector<2000x128xf32>
    %dot_general3A_5 = tpu.matmul %get3A_1, %get3A_4, %dot_general3A {dimension_numbers = #tpu.dot_dimension_numbers<[1], [0], [0], [1], [0, 0, 1, 1], [], []>, transpose_lhs_hint = false} : vector<2000x128xf32>, vector<128x128xf32>, vector<2000x128xf32> -> vector<2000x128xf32>
    %get3A_6 = arith.constant 0 : index
    %get3A_7 = arith.constant 0 : index
    %get3A_8 = vector.load %arg3[%get3A_6, %get3A_7] : memref<1x128xf32, #tpu.memory_space<vmem>>, vector<1x128xf32>
    %add3A = vector.broadcast %get3A_8 : vector<1x128xf32> to vector<2000x128xf32>
    %add3A_9 = arith.addf %dot_general3A_5, %add3A : vector<2000x128xf32>
    %get3A_10 = arith.constant 0 : index
    %get3A_11 = arith.constant 0 : index
    %get3A_12 = arith.constant 0 : index
    %get3A_13 = vector.load %arg4[%get3A_10, %get3A_11, %get3A_12] : memref<2x2000x1xf32, #tpu.memory_space<vmem>>, vector<2x2000x1xf32>
    %slice3A = vector.extract_strided_slice %get3A_13 {offsets = [0, 0, 0], sizes = [1, 2000, 1], strides = [1, 1, 1]} : vector<2x2000x1xf32> to vector<1x2000x1xf32>
    %squeeze3A = vector.shape_cast %slice3A : vector<1x2000x1xf32> to vector<2000x1xf32>
    %slice3A_14 = vector.extract_strided_slice %get3A_13 {offsets = [1, 0, 0], sizes = [1, 2000, 1], strides = [1, 1, 1]} : vector<2x2000x1xf32> to vector<1x2000x1xf32>
    %squeeze3A_15 = vector.shape_cast %slice3A_14 : vector<1x2000x1xf32> to vector<2000x1xf32>
    %add3A_16 = arith.addf %squeeze3A, %squeeze3A_15 : vector<2000x1xf32>
    %add3A_17 = arith.constant 1.000000e+00 : f32
    %add3A_18 = vector.broadcast %add3A_17 : f32 to vector<2000x1xf32>
    %add3A_19 = arith.addf %add3A_16, %add3A_18 : vector<2000x1xf32>
    %rsqrt3A = math.rsqrt %add3A_19 : vector<2000x1xf32>
    %mul3A = vector.broadcast %rsqrt3A : vector<2000x1xf32> to vector<2000x128xf32>
    %mul3A_20 = arith.mulf %add3A_9, %mul3A : vector<2000x128xf32>
    %swap3A = arith.constant 0 : index
    %swap3A_21 = arith.constant 0 : index
    %swap3A_22 = vector.load %arg5[%swap3A, %swap3A_21] : memref<2000x128xf32, #tpu.memory_space<vmem>>, vector<2000x128xf32>
    tpu.vector_store %arg5[%swap3A, %swap3A_21], %mul3A_20 {strides = array<i32>} : memref<2000x128xf32, #tpu.memory_space<vmem>>, vector<2000x128xf32>,
    return
  }
  func.func @transform_0(%arg0: i32) -> (i32, i32) {
    %c0_i32 = arith.constant 0 : i32
    %c0_i32_0 = arith.constant 0 : i32
    return %arg0, %c0_i32 : i32, i32
  }
  func.func @transform_1(%arg0: i32) -> (i32, i32) {
    %c0_i32 = arith.constant 0 : i32
    %c0_i32_0 = arith.constant 0 : i32
    %c0_i32_1 = arith.constant 0 : i32
    return %c0_i32, %c0_i32_0 : i32, i32
  }
  func.func @transform_2(%arg0: i32) -> (i32, i32) {
    %c0_i32 = arith.constant 0 : i32
    %c0_i32_0 = arith.constant 0 : i32
    %c0_i32_1 = arith.constant 0 : i32
    return %c0_i32, %c0_i32_0 : i32, i32
  }
  func.func @transform_3(%arg0: i32) -> (i32, i32, i32) {
    %c0_i32 = arith.constant 0 : i32
    %c0_i32_0 = arith.constant 0 : i32
    %c0_i32_1 = arith.constant 0 : i32
    return %c0_i32, %arg0, %c0_i32_0 : i32, i32, i32
  }
  func.func @transform_4(%arg0: i32) -> (i32, i32) {
    %c0_i32 = arith.constant 0 : i32
    %c0_i32_0 = arith.constant 0 : i32
    return %arg0, %c0_i32 : i32, i32
  }
}

module attributes {stable_mosaic.version = 14 : i64} {
  func.func @_combine_body(%arg0: i32, %arg1: memref<2x2000x128xf32, #tpu.memory_space<vmem>>, %arg2: memref<2000x128xf32, #tpu.memory_space<vmem>>, %arg3: memref<2x2000x1xf32, #tpu.memory_space<vmem>>, %arg4: memref<2x2000x1xf32, #tpu.memory_space<vmem>>, %arg5: memref<2000x128xf32, #tpu.memory_space<vmem>>) attributes {dimension_semantics = [#tpu.dimension_semantics<arbitrary>], iteration_bounds = array<i64: 5>, scalar_prefetch = 0 : i64, scratch_operands = 0 : i64, tpu.core_type = #tpu.core_type<tc>, window_params = [{transform_indices = @transform_0, window_bounds = array<i64: 2, 2000, 128>}, {transform_indices = @transform_1, window_bounds = array<i64: 2000, 128>}, {transform_indices = @transform_2, window_bounds = array<i64: 2, 2000, 1>}, {transform_indices = @transform_3, window_bounds = array<i64: 2, 2000, 1>}, {transform_indices = @transform_4, window_bounds = array<i64: 2000, 128>}]} {
    %get3A = arith.constant 0 : index
    %get3A_0 = arith.constant 0 : index
    %get3A_1 = arith.constant 0 : index
    %get3A_2 = vector.load %arg1[%get3A, %get3A_0, %get3A_1] : memref<2x2000x128xf32, #tpu.memory_space<vmem>>, vector<2x2000x128xf32>
    %get3A_3 = arith.constant 0 : index
    %get3A_4 = arith.constant 0 : index
    %get3A_5 = arith.constant 0 : index
    %get3A_6 = vector.load %arg3[%get3A_3, %get3A_4, %get3A_5] : memref<2x2000x1xf32, #tpu.memory_space<vmem>>, vector<2x2000x1xf32>
    %get3A_7 = arith.constant 0 : index
    %get3A_8 = arith.constant 0 : index
    %get3A_9 = arith.constant 0 : index
    %get3A_10 = vector.load %arg4[%get3A_7, %get3A_8, %get3A_9] : memref<2x2000x1xf32, #tpu.memory_space<vmem>>, vector<2x2000x1xf32>
    %slice3A = vector.extract_strided_slice %get3A_6 {offsets = [0, 0, 0], sizes = [1, 2000, 1], strides = [1, 1, 1]} : vector<2x2000x1xf32> to vector<1x2000x1xf32>
    %squeeze3A = vector.shape_cast %slice3A : vector<1x2000x1xf32> to vector<2000x1xf32>
    %slice3A_11 = vector.extract_strided_slice %get3A_6 {offsets = [1, 0, 0], sizes = [1, 2000, 1], strides = [1, 1, 1]} : vector<2x2000x1xf32> to vector<1x2000x1xf32>
    %squeeze3A_12 = vector.shape_cast %slice3A_11 : vector<1x2000x1xf32> to vector<2000x1xf32>
    %add3A = arith.addf %squeeze3A, %squeeze3A_12 : vector<2000x1xf32>
    %add3A_13 = arith.constant 1.000000e+00 : f32
    %add3A_14 = vector.broadcast %add3A_13 : f32 to vector<2000x1xf32>
    %add3A_15 = arith.addf %add3A, %add3A_14 : vector<2000x1xf32>
    %slice3A_16 = vector.extract_strided_slice %get3A_10 {offsets = [0, 0, 0], sizes = [1, 2000, 1], strides = [1, 1, 1]} : vector<2x2000x1xf32> to vector<1x2000x1xf32>
    %squeeze3A_17 = vector.shape_cast %slice3A_16 : vector<1x2000x1xf32> to vector<2000x1xf32>
    %slice3A_18 = vector.extract_strided_slice %get3A_10 {offsets = [1, 0, 0], sizes = [1, 2000, 1], strides = [1, 1, 1]} : vector<2x2000x1xf32> to vector<1x2000x1xf32>
    %squeeze3A_19 = vector.shape_cast %slice3A_18 : vector<1x2000x1xf32> to vector<2000x1xf32>
    %add3A_20 = arith.addf %squeeze3A_17, %squeeze3A_19 : vector<2000x1xf32>
    %add3A_21 = arith.constant 1.000000e+00 : f32
    %add3A_22 = vector.broadcast %add3A_21 : f32 to vector<2000x1xf32>
    %add3A_23 = arith.addf %add3A_20, %add3A_22 : vector<2000x1xf32>
    %slice3A_24 = vector.extract_strided_slice %get3A_2 {offsets = [0, 0, 0], sizes = [1, 2000, 128], strides = [1, 1, 1]} : vector<2x2000x128xf32> to vector<1x2000x128xf32>
    %squeeze3A_25 = vector.shape_cast %slice3A_24 : vector<1x2000x128xf32> to vector<2000x128xf32>
    %slice3A_26 = vector.extract_strided_slice %get3A_2 {offsets = [1, 0, 0], sizes = [1, 2000, 128], strides = [1, 1, 1]} : vector<2x2000x128xf32> to vector<1x2000x128xf32>
    %squeeze3A_27 = vector.shape_cast %slice3A_26 : vector<1x2000x128xf32> to vector<2000x128xf32>
    %add3A_28 = arith.addf %squeeze3A_25, %squeeze3A_27 : vector<2000x128xf32>
    %get3A_29 = arith.constant 0 : index
    %get3A_30 = arith.constant 0 : index
    %get3A_31 = vector.load %arg2[%get3A_29, %get3A_30] : memref<2000x128xf32, #tpu.memory_space<vmem>>, vector<2000x128xf32>
    %add3A_32 = arith.addf %add3A_28, %get3A_31 : vector<2000x128xf32>
    %rsqrt3A = math.rsqrt %add3A_15 : vector<2000x1xf32>
    %div3A = arith.divf %rsqrt3A, %add3A_23 : vector<2000x1xf32>
    %mul3A = vector.broadcast %div3A : vector<2000x1xf32> to vector<2000x128xf32>
    %mul3A_33 = arith.mulf %add3A_32, %mul3A : vector<2000x128xf32>
    %swap3A = arith.constant 0 : index
    %swap3A_34 = arith.constant 0 : index
    %swap3A_35 = vector.load %arg5[%swap3A, %swap3A_34] : memref<2000x128xf32, #tpu.memory_space<vmem>>, vector<2000x128xf32>
    tpu.vector_store %arg5[%swap3A, %swap3A_34], %mul3A_33 {strides = array<i32>} : memref<2000x128xf32, #tpu.memory_space<vmem>>, vector<2000x128xf32>,
    return
  }
  func.func @transform_0(%arg0: i32) -> (i32, i32, i32) {
    %c0_i32 = arith.constant 0 : i32
    %c0_i32_0 = arith.constant 0 : i32
    %c0_i32_1 = arith.constant 0 : i32
    return %c0_i32, %arg0, %c0_i32_0 : i32, i32, i32
  }
  func.func @transform_1(%arg0: i32) -> (i32, i32) {
    %c0_i32 = arith.constant 0 : i32
    %c0_i32_0 = arith.constant 0 : i32
    return %arg0, %c0_i32 : i32, i32
  }
  func.func @transform_2(%arg0: i32) -> (i32, i32, i32) {
    %c0_i32 = arith.constant 0 : i32
    %c0_i32_0 = arith.constant 0 : i32
    %c0_i32_1 = arith.constant 0 : i32
    return %c0_i32, %arg0, %c0_i32_0 : i32, i32, i32
  }
  func.func @transform_3(%arg0: i32) -> (i32, i32, i32) {
    %c0_i32 = arith.constant 0 : i32
    %c0_i32_0 = arith.constant 0 : i32
    %c0_i32_1 = arith.constant 0 : i32
    return %c0_i32, %arg0, %c0_i32_0 : i32, i32, i32
  }
  func.func @transform_4(%arg0: i32) -> (i32, i32) {
    %c0_i32 = arith.constant 0 : i32
    %c0_i32_0 = arith.constant 0 : i32
    return %arg0, %c0_i32 : i32, i32
  }
}

</mosaic_0001>

<sc_bundles>
// kernel: kernel.6.cloned.1.call-start
scs
__scs_entry_jumppad:
0x0: {  	(pc) =	sbr.rel $0x88, $3  }
0x1: {  	(tag) =	ssettag $0x0;
	lr =	simm.s32 $0x1  }
0x2: {  	[smem:$0x3F9D] =	sst lr;
	_ =	strace $0xD0000000  }
0x3: {  	_ = 	snop  }
0x4: {  	_ = 	snop  }
0x5: {  	_ = 	snop  }
0x6: {  	_ = 	snop  }
0x7: {  	_ = 	snop  }
__scs_overlays_trampoline_lowered:
0x8: {  	[smem:$0x3FAC] =	sst s0  }
0x9: {  	[smem:$0x3FAD] =	sst s1  }
0xa: {  	[smem:$0x3FAE] =	sst s2  }
0xb: {  	[smem:$0x3FAF] =	sst s3  }
0xc: {  	[smem:$0x3FB0] =	sst s4  }
0xd: {  	[smem:$0x3FB1] =	sst s5  }
0xe: {  	[smem:$0x3FB2] =	sst s6  }
0xf: {  	[smem:$0x3FB3] =	sst s7  }
0x10: {  	[smem:$0x3FB4] =	sst s8  }
0x11: {  	[smem:$0x3FB5] =	sst s9;
	s0 =	simm.s32 @!p0 $0x0  }
0x12: {  	s1 =	sld [smem:$0x3F9B];
	s0 =	simm.s32 @p0 $0x1  }
0x13: {  	[smem:$0x3FB6] =	sst s0;
	s0 =	simm.s32 @!p1 $0x0  }
0x14: {  	s2 =	sld [smem:$0x3F9A];
	s0 =	simm.s32 @p1 $0x1  }
0x15: {  	[smem:$0x3FB7] =	sst s0;
	s0 =	simm.s32 @!p2 $0x0  }
0x16: {  	s3 =	sld [smem:$0x3FDB];
	s0 =	simm.s32 @p2 $0x1  }
0x17: {  	s4 =	simm.s32 $0x1BF5;
	[smem:$0x3FB9] =	sst s0  }
0x18: {  	s0 =	sld [smem:$0x3F9C];
	_ =	swait.ge [sflag:s4], $0x0  }
0x19: {  	s7 =	sld [smem:$0x3F9D]  }
0x1a: {  	s8 =	sadd.s32 $0xFFFFE003, lr  }
0x1b: {  	s9 =	sadd.s32 $0xFFFFFEF7, lr;
	s5 =	simm.s32 $0xFFFFFFFF;
	p2 =	slt.u32 s8, $0xFFFFF086  }
0x1c: {  	p1 =	slt.u32 s9, $0xF7A;
	s5 =	simm.s32 @!p2 $0x0  }
0x1d: {  	s5 =	simm.s32 @p1 $0x1;
	p0 =	seq.s32 s7, s2  }
0x1e: {  	s7 =	smul.u32 @!p0 $0xF7A, s2;
	p2 =	seq.s32 @!p0 s5, $0x0  }
0x1f: {  	s9 =	smul.u32 $0xF7A, s1;
	s8 =	simm.s32 @!p0 $0x1BF5;
	p2 =	por !p2, p0  }
0x20: {  	[sflag:s8] =	ssyncset.s32 @!p0 $0xFFFFF086;
	s6 =	sadd.s32 @!p0 s3, s7;
	s7 =	simm.s32 @!p0 $0x108  }
0x21: {  	s3 =	sadd.s32 s3, s9;
	s6 =	sadd.s32 @!p0 $0x88, s6;
	s7 =	simm.s32 @p2 $0x1082  }
0x22: {  	[simem:s7], [sflag:s8] =	dma.local @!p0 [hbm:s6], $0xF7A  }
0x23: {  	s9 =	sor.u32 $0xD0000000, s2;
	s6 =	simm.s32 $0x108;
	_ =	swait.ge @!p0 [sflag:s8], $0x0  }
0x24: {  	s3 =	sadd.s32 $0x88, s3;
	s6 =	simm.s32 @!p1 $0x1082;
	[sflag:s4] =	ssyncset.s32 $0xFFFFF086  }
0x25: {  	[simem:s6], [sflag:s4] =	dma.local [hbm:s3], $0xF7A  }
0x26: {  	[smem:$0x3F9D] =	sst s1;
	(tag) =	ssettag s2;
	_ =	strace s9  }
0x27: {  	s1 =	sld [smem:$0x3FAD]  }
0x28: {  	s2 =	sld [smem:$0x3FAE]  }
0x29: {  	s4 =	sld [smem:$0x3FB0]  }
0x2a: {  	p0 =	seq.s32 s5, $0x0;
	s5 =	sld [smem:$0x3FB1]  }
0x2b: {  	s6 =	sld [smem:$0x3FB2]  }
0x2c: {  	s7 =	sld [smem:$0x3FB3]  }
0x2d: {  	s3 =	simm.s32 $0x108;
	s8 =	sld [smem:$0x3FB4]  }
0x2e: {  	s3 =	simm.s32 @!p0 $0x1082;
	s9 =	sld [smem:$0x3FB5]  }
0x2f: {  	lr =	sadd.s32 s0, s3;
	s0 =	sld [smem:$0x3FAC]  }
0x30: {  	s3 =	sld [smem:$0x3FAF]  }
0x31: {  	[smem:$0x3FB8] =	sst s10  }
0x32: {  	s10 =	sld [smem:$0x3FB6];
	_ =	sdelay $0x3  }
0x33: {  	p0 =	seq.s32 s10, $0x1;
	s10 =	sld [smem:$0x3FB8];
	_ =	sdelay $0x3  }
0x34: {  	[smem:$0x3FB8] =	sst s10  }
0x35: {  	s10 =	sld [smem:$0x3FB7];
	_ =	sdelay $0x3  }
0x36: {  	p1 =	seq.s32 s10, $0x1;
	s10 =	sld [smem:$0x3FB8];
	_ =	sdelay $0x3  }
0x37: {  	[smem:$0x3FB8] =	sst s10  }
0x38: {  	s10 =	sld [smem:$0x3FB9]  }
0x39: {  	_ = 	snop;
	(pc) =	sbr.ind lr, $3  }
0x3a: {  	_ = 	snop  }
0x3b: {  	_ = 	snop  }
0x3c: {  	p2 =	seq.s32 s10, $0x1;
	s10 =	sld [smem:$0x3FB8]  }
0x3d: {  	_ =	shalt  }
0x3e: {  	_ =	shalt  }
0x3f: {  	_ =	shalt  }
0x40: {  	_ =	shalt  }
0x41: {  	_ =	shalt  }
0x42: {  	_ =	shalt  }
0x43: {  	_ =	shalt  }
0x44: {  	_ =	shalt  }
0x45: {  	_ =	shalt  }
0x46: {  	_ =	shalt  }
0x47: {  	_ =	shalt  }
0x48: {  	_ =	shalt  }
0x49: {  	_ =	shalt  }
0x4a: {  	_ =	shalt  }
0x4b: {  	_ =	shalt  }
0x4c: {  	_ =	shalt  }
0x4d: {  	_ =	shalt  }
0x4e: {  	_ =	shalt  }
0x4f: {  	_ =	shalt  }
0x50: {  	_ =	shalt  }
0x51: {  	_ =	shalt  }
0x52: {  	_ =	shalt  }
0x53: {  	_ =	shalt  }
0x54: {  	_ =	shalt  }
0x55: {  	_ =	shalt  }
0x56: {  	_ =	shalt  }
0x57: {  	_ =	shalt  }
0x58: {  	_ =	shalt  }
0x59: {  	_ =	shalt  }
0x5a: {  	_ =	shalt  }
0x5b: {  	_ =	shalt  }
0x5c: {  	_ =	shalt  }
0x5d: {  	_ =	shalt  }
0x5e: {  	_ =	shalt  }
0x5f: {  	_ =	shalt  }
0x60: {  	_ =	shalt  }
0x61: {  	_ =	shalt  }
0x62: {  	_ =	shalt  }
0x63: {  	_ =	shalt  }
0x64: {  	_ =	shalt  }
0x65: {  	_ =	shalt  }
0x66: {  	_ =	shalt  }
0x67: {  	_ =	shalt  }
0x68: {  	_ =	shalt  }
0x69: {  	_ =	shalt  }
0x6a: {  	_ =	shalt  }
0x6b: {  	_ =	shalt  }
0x6c: {  	_ =	shalt  }
0x6d: {  	_ =	shalt  }
0x6e: {  	_ =	shalt  }
0x6f: {  	_ =	shalt  }
0x70: {  	_ =	shalt  }
0x71: {  	_ =	shalt  }
0x72: {  	_ =	shalt  }
0x73: {  	_ =	shalt  }
0x74: {  	_ =	shalt  }
0x75: {  	_ =	shalt  }
0x76: {  	_ =	shalt  }
0x77: {  	_ =	shalt  }
0x78: {  	_ =	shalt  }
0x79: {  	_ =	shalt  }
0x7a: {  	_ =	shalt  }
0x7b: {  	_ =	shalt  }
0x7c: {  	_ =	shalt  }
0x7d: {  	_ =	shalt  }
0x7e: {  	_ =	shalt  }
0x7f: {  	_ =	shalt  }
0x80: {  	_ =	shalt  }
0x81: {  	_ =	shalt  }
0x82: {  	_ =	shalt  }
0x83: {  	_ =	shalt  }
0x84: {  	_ =	shalt  }
0x85: {  	_ =	shalt  }
0x86: {  	_ =	shalt  }
0x87: {  	_ =	shalt  }
.Lfunc_end0:
.L_simem_size_0:
called_computation_lowered:
.L_overlay_start_0:
0x88: {  	s2 =	sld [smem:$0x3FD9]  }
0x89: {  	s3 =	sld [smem:$0x3FFE];
	_ =	sdelay $0x1  }
0x8a: {  	s1 =	srdreg.scid  }
0x8b: {  	s0 =	sand.u32 $0x1, s1  }
0x8c: {  	s17 =	sshll.u32 s0, $0xA;
	s2 =	sadd.s32 s3, s2  }
0x8d: {  	s2 =	sadd.s32 s2, s17  }
0x8e: {  	[smem:$0x3FC4] =	sst s2  }
0x8f: {  	_ = 	snop  }
0x90: {  	s2 =	sld [smem:$0x3FD0];
	(tm) =	ssettm $0x1  }
0x91: {  	s18 =	sld [smem:$0x3FFB];
	_ =	sdelay $0x3  }
0x92: {  	_ =	strace s18  }
0x93: {  	s3 =	sld [smem:$0x3FFC];
	_ =	sdelay $0x3  }
0x94: {  	_ =	strace s3  }
0x95: {  	s3 =	sld [smem:$0x3FFD];
	_ =	sdelay $0x3  }
0x96: {  	_ =	strace s3  }
0x97: {  	_ =	strace $0x8FFFFFFF  }
0x98: {  	s19 =	sld [smem:$0x3FDB];
	_ =	sdelay $0x1  }
0x99: {  	s4 =	simm.s32 $_scs_section_size  }
0x9a: {  	s5 =	simm.s32 $_size__tile_overlayer_lowered;
	s6 =	simm.s32 $_tile_overlayer_lowered  }
0x9b: {  	s22 =	simm.s32 $0x1BFF;
	s21 =	sshll.u32 s6, $0x1;
	s3 =	sadd.s32 s4, s19  }
0x9c: {  	s7 =	simm.s32 $0x0;
	s20 =	sshll.u32 s5, $0x1;
	s5 =	sadd.s32 s21, s3  }
0x9d: {  	[timem:s7], [sflag:s22] =	dma.local [hbm:s5], s20  }
0x9e: {  	_ =	swait.ge [sflag:s22], s20  }
0x9f: {  	s4 =	ssub.s32 $0x0, s20;
	[sflag:s22] =	ssyncset.done $0x0  }
0xa0: {  	[sflag:s22] =	ssyncadd.s32 s4;
	_ =	sdelay $0x1  }
0xa1: {  	s23 =	simm.s32 $0x1B8B  }
0xa2: {  	_ =	swait.ge [sflag:s23], $0x1  }
0xa3: {  	[sflag:s23] =	ssyncset.done $0x0  }
0xa4: {  	s25 =	simm.s32 $0x1B8E;
	s24 =	sld [smem:$0x3FFE];
	[sflag:s23] =	ssyncadd.s32 $0xFFFFFFFF  }
0xa5: {  	s26 =	simm.s32 $execute0_lowered;
	[smem:$0x3FD2] =	sst s25  }
0xa6: {  	s5 =	sshll.u32 s26, $0x1;
	_ =	strace $0x80000046;
	[dreg:$0x1] =	wrdreg $0xFFFFFFFF  }
0xa7: {  	s28 =	simm.s32 $_size_execute0_lowered;
	s3 =	sadd.s32 s3, s5;
	[dreg:$0x0] =	wrdreg $0x0  }
0xa8: {  	s5 =	sshll.u32 s28, $0x1;
	[dreg:$0x2] =	wrdreg s3  }
0xa9: {  	[dreg:$0x3] =	wrdreg s5  }
0xaa: {  	[dreg:$0x4] =	wrdreg $0xC0  }
0xab: {  	_ =	task [dreg:s7], $0x5FFFF  }
0xac: {  	[dreg:$0x1] =	wrdreg $0xFFFFFFFF  }
0xad: {  	[dreg:$0x0] =	wrdreg $0x60  }
0xae: {  	[dreg:$0x2] =	wrdreg s24  }
0xaf: {  	[dreg:$0x3] =	wrdreg s2  }
0xb0: {  	[dreg:$0x4] =	wrdreg $0x0  }
0xb1: {  	[dreg:$0x5] =	wrdreg $0x2800  }
0xb2: {  	[dreg:$0x6] =	wrdreg $0x9  }
0xb3: {  	_ =	task.clear_ibuf [dreg:s7], $0x7FFFF;
	_ =	strace $0x90000046  }
0xb4: {  	s29 =	simm.s32 $0x9;
	_ =	strace $0x80000048  }
0xb5: {  	_ =	swait.ge [sflag:s29], $0x1  }
0xb6: {  	[sflag:s29] =	ssyncadd.s32 $0xFFFFFFFF  }
0xb7: {  	_ =	strace $0x90000048  }
0xb8: {  	_ =	sfence  }
0xb9: {  	s30 =	sld [smem:$0x0];
	_ =	sdelay $0x2  }
0xba: {  	s31 =	sshll.u32 s1, $0xD;
	s1 =	sshrl.u32 s1, $0x2  }
0xbb: {  	s3 =	sand.u32 $0x4000, s31;
	s1 =	sadd.s32 s1, s30  }
0xbc: {  	s0 =	sor.u32 s3, s0;
	s1 =	sshll.u32 s1, $0x11  }
0xbd: {  	s0 =	sor.u32 s1, s0  }
0xbe: {  	s0 =	sadd.s32 $0x8F2B, s0  }
0xbf: {  	[sflag:s0] =	ssyncadd.remote.s32 $0x1  }
0xc0: {  	_ =	sfence.sel $0xFFFF  }
0xc1: {  	[dreg:$0x0] =	wrdreg $0xFFFFFFFF;
	(pc) =	sbr.abs _section_cstart, $3  }
0xc2: {  	[dreg:$0x1] =	wrdreg $0xFFFFFFFF  }
0xc3: {  	_ =	task.clear_ibuf [dreg:s7], $0x2FFFF;
	_ =	strace $0x9FFFFFFF  }
0xc4: {  	(tm) =	ssettm $0x7FFFFFFF  }
0xc5: {  	_ =	shalt  }
tec
execute0_lowered:
.L_overlay_start_1:
0x0: {  	(tag) =	ssettag $0x1  }
0x1: {  	s0 =	rddreg [dreg:$0x0]  }
0x2: {  	s1 =	rddreg [dreg:$0x1]  }
0x3: {  	s2 =	rddreg [dreg:$0x2]  }
0x4: {  	s3 =	rddreg [dreg:$0x3];
	s5 =	srdreg.scid  }
0x5: {  	s14 =	stileid.u32;
	s4 =	simm.s32 $0x0;
	s28 =	simm.s32 $0x1  }
0x6: {  	s29 =	simm.s32 $0x2;
	s30 =	simm.s32 $0x80;
	s6 =	smul.u32 $0x500, s14  }
0x7: {  	s31 =	simm.s32 $0x780;
	s8 =	sand.u32 $0x1, s5;
	s11 =	smul.u32 $0x280, s14  }
0x8: {  	[smem:$0x7FF] =	sst s4;
	s5 =	sadd.s32 $0xB800, s0;
	s18 =	smul.u32 $0x2710, s14  }
0x9: {  	s7 =	sshll.u32 s8, $0x7;
	_ =	strace $0x80000047;
	s15 =	sshll.u32 s8, $0x4  }
0xa: {  	s10 =	ssub.s32 $0x2, s8;
	s16 =	smul.u32 $0x27100, s8;
	s7 =	sor.u32 s7, s6  }
0xb: {  	s6 =	sadd.s32 $0x1A00, s0;
	s12 =	sshrl.u32 s10, $0x1;
	s8 =	sadd.s32 s11, s3  }
0xc: {  	s9 =	sshrl.u32 s7, $0x3;
	s7 =	sor.u32 s14, s15;
	s10 =	ssub.s32 s10, s12  }
0xd: {  	s12 =	sadd.s32 s18, s16;
	s14 =	simm.s32 $0x20;
	s0 =	sadd.s32 s9, s0  }
0xe: {  	s13 =	smul.u32 $0x2710, s7;
	s7 =	sadd.s32 s11, s2;
	s24 =	sadd.s32 $0x180, s12  }
0xf: {  	s1 =	sadd.s32 s1, s9;
	s26 =	smax.u32 s10, $0x1;
	s9 =	simm.s32 $0x5  }
0x10: {  	s10 =	simm.s32 $0x6;
	[dreg:$0xb] =	wrdreg s1;
	s25 =	sshrl.u32 s24, $0x3  }
0x11: {  	s0 =	sadd.s32 $0x15600, s0;
	[dreg:$0xd] =	wrdreg s26;
	s24 =	simm.s32 $0x900  }
0x12: {  	s26 =	simm.s32 $0x980;
	s1 =	simm.s32 $0x4;
	s17 =	sshrl.u32 s13, $0x3  }
0x13: {  	[dreg:$0xc] =	wrdreg s0;
	s18 =	sadd.s32 s25, s6;
	s19 =	sadd.s32 s5, s17  }
0x14: {  	s20 =	sadd.s32 s6, s17;
	s21 =	sadd.s32 $0x10, s17;
	[dreg:$0x5] =	wrdreg s19  }
0x15: {  	s0 =	simm.s32 $0x3;
	[dreg:$0x6] =	wrdreg s20;
	s15 =	sadd.s32 s5, s21  }
0x16: {  	s11 =	sadd.s32 $0x4E0, s17;
	s22 =	sadd.s32 s6, s21;
	[dreg:$0x7] =	wrdreg s15  }
0x17: {  	s13 =	simm.s32 $0x10;
	s23 =	sadd.s32 s5, s11;
	[dreg:$0x8] =	wrdreg s22  }
0x18: {  	s11 =	sadd.s32 s6, s11;
	s19 =	sadd.s32 s25, s5;
	[dreg:$0x9] =	wrdreg s23  }
0x19: {  	s20 =	sadd.s32 $0x100, s12;
	s25 =	simm.s32 $0x880;
	[dreg:$0xa] =	wrdreg s11  }
0x1a: {  	v0 =	vimm.f32 $0.0e+00;
	v1 =	vimm.f32 $1.000000000e+00;
	s22 =	simm.s32 $0x7;
	s23 =	simm.s32 $0x800;
	s15 =	simm.s32 $0x0  }
.LBB2_1:
0x1b: {  	[tilespmem:$0x500] =	vst v0  }
0x1c: {  	[tilespmem:$0x510] =	vst v0  }
0x1d: {  	[tilespmem:$0x520] =	vst v0  }
0x1e: {  	[tilespmem:$0x530] =	vst v0  }
0x1f: {  	[tilespmem:$0x540] =	vst v0  }
0x20: {  	[tilespmem:$0x550] =	vst v0  }
0x21: {  	[tilespmem:$0x560] =	vst v0  }
0x22: {  	[tilespmem:$0x570] =	vst v0  }
0x23: {  	[tilespmem:$0x580] =	vst v0  }
0x24: {  	[tilespmem:$0x590] =	vst v0  }
0x25: {  	[tilespmem:$0x5A0] =	vst v0  }
0x26: {  	[tilespmem:$0x5B0] =	vst v0  }
0x27: {  	[tilespmem:$0x5C0] =	vst v0  }
0x28: {  	[tilespmem:$0x5D0] =	vst v0  }
0x29: {  	[tilespmem:$0x5E0] =	vst v0  }
0x2a: {  	[tilespmem:$0x5F0] =	vst v0  }
0x2b: {  	[tilespmem:$0x600] =	vst v0  }
0x2c: {  	[tilespmem:$0x610] =	vst v0  }
0x2d: {  	[tilespmem:$0x620] =	vst v0  }
0x2e: {  	[tilespmem:$0x630] =	vst v0  }
0x2f: {  	[tilespmem:$0x640] =	vst v0  }
0x30: {  	[tilespmem:$0x650] =	vst v0  }
0x31: {  	[tilespmem:$0x660] =	vst v0  }
0x32: {  	[tilespmem:$0x670] =	vst v0  }
0x33: {  	[tilespmem:$0x680] =	vst v0  }
0x34: {  	[tilespmem:$0x690] =	vst v0  }
0x35: {  	[tilespmem:$0x6A0] =	vst v0  }
0x36: {  	[tilespmem:$0x6B0] =	vst v0  }
0x37: {  	[tilespmem:$0x6C0] =	vst v0  }
0x38: {  	[tilespmem:$0x6D0] =	vst v0  }
0x39: {  	[tilespmem:$0x6E0] =	vst v0  }
0x3a: {  	[tilespmem:$0x6F0] =	vst v0  }
0x3b: {  	[tilespmem:$0x700] =	vst v0  }
0x3c: {  	[tilespmem:$0x710] =	vst v0  }
0x3d: {  	[tilespmem:$0x720] =	vst v0  }
0x3e: {  	[tilespmem:$0x730] =	vst v0  }
0x3f: {  	[tilespmem:$0x740] =	vst v0  }
0x40: {  	[tilespmem:$0x750] =	vst v0  }
0x41: {  	[tilespmem:$0x760] =	vst v0  }
0x42: {  	[tilespmem:$0x770] =	vst v0  }
0x43: {  	[tilespmem:$0x780] =	vst v1  }
0x44: {  	[tilespmem:$0x790] =	vst v1  }
0x45: {  	[tilespmem:$0x7A0] =	vst v1  }
0x46: {  	[tilespmem:$0x7B0] =	vst v1  }
0x47: {  	[tilespmem:$0x7C0] =	vst v1  }
0x48: {  	[tilespmem:$0x7D0] =	vst v1  }
0x49: {  	[tilespmem:$0x7E0] =	vst v1  }
0x4a: {  	[tilespmem:$0x7F0] =	vst v1;
	s11 =	simm.s32 $0x500  }
0x4b: {  	[spmem:s7] =	stream.linear.scatter [tilespmem:s11], [sflag:$0x7], $0x280, $0x38;
	[tilespmem:$0xB00] =	vst v63  }
0x4c: {  	_ =	swait.ge [sflag:s22], $0x280  }
0x4d: {  	[sflag:s22] =	ssyncset.done $0x0  }
0x4e: {  	[sflag:s22] =	ssyncadd.s32 $0xFFFFFD80  }
0x4f: {  	[spmem:s8] =	stream.linear.scatter [tilespmem:s11], [sflag:$0x7], $0x280, $0x38;
	[tilespmem:$0xB00] =	vst v63  }
0x50: {  	_ =	swait.ge [sflag:s22], $0x280  }
0x51: {  	[sflag:s22] =	ssyncset.done $0x0  }
0x52: {  	[sflag:s22] =	ssyncadd.s32 $0xFFFFFD80  }
0x53: {  	[bflag:$0x0] =	sbarrier.arrive $0xFFFF  }
0x54: {  	s21 =	rddreg [dreg:$0x5]  }
0x55: {  	[tilespmem:s23], [sflag:$0x1] =	stream.linear.gather [hbm4b:s21+s4], $0x80, $0x38;
	[tilespmem:$0xB00] =	vst v63  }
0x56: {  	s12 =	rddreg [dreg:$0x6]  }
0x57: {  	[tilespmem:s24], [sflag:$0x2] =	stream.linear.gather [hbm4b:s12+s4], $0x80, $0x38;
	[tilespmem:$0xB00] =	vst v63  }
0x58: {  	s16 =	rddreg [dreg:$0x7]  }
0x59: {  	[tilespmem:s25], [sflag:$0x3] =	stream.linear.gather [hbm4b:s16+s4], $0x80, $0x38;
	[tilespmem:$0xB00] =	vst v63  }
0x5a: {  	s17 =	rddreg [dreg:$0x8]  }
0x5b: {  	[tilespmem:s26], [sflag:$0x4] =	stream.linear.gather [hbm4b:s17+s4], $0x80, $0x38;
	[tilespmem:$0xB00] =	vst v63  }
0x5c: {  	_ =	swait.ge [sflag:s28], $0x80  }
0x5d: {  	[sflag:s28] =	ssyncset.done $0x0  }
0x5e: {  	[sflag:s28] =	ssyncadd.s32 $0xFFFFFF80  }
0x5f: {  	_ =	swait.ge [sflag:s29], $0x80  }
0x60: {  	[sflag:s29] =	ssyncset.done $0x0  }
0x61: {  	[sflag:s29] =	ssyncadd.s32 $0xFFFFFF80  }
0x62: {  	[spmem:s2] =	stream.indirect.scatter.add.f32 [tilespmem:s31], [sflag:$0x5], $0x1, s23, s30, $0xb8;
	[tilespmem:$0xB00] =	vst v63  }
0x63: {  	_ = 	snop  }
0x64: {  	[spmem:s3] =	stream.indirect.scatter.add.f32 [tilespmem:s31], [sflag:$0x5], $0x1, s24, s30, $0xb8;
	[tilespmem:$0xB00] =	vst v63  }
0x65: {  	_ =	swait.ge [sflag:s0], $0x80  }
0x66: {  	[sflag:s0] =	ssyncset.done $0x0  }
0x67: {  	[sflag:s0] =	ssyncadd.s32 $0xFFFFFF80  }
0x68: {  	_ =	swait.ge [sflag:s1], $0x80  }
0x69: {  	[sflag:s1] =	ssyncset.done $0x0  }
0x6a: {  	[sflag:s1] =	ssyncadd.s32 $0xFFFFFF80  }
0x6b: {  	[spmem:s2] =	stream.indirect.scatter.add.f32 [tilespmem:s31], [sflag:$0x6], $0x1, s25, s30, $0xb8;
	[tilespmem:$0xB00] =	vst v63  }
0x6c: {  	_ = 	snop  }
0x6d: {  	[spmem:s3] =	stream.indirect.scatter.add.f32 [tilespmem:s31], [sflag:$0x6], $0x1, s26, s30, $0xb8;
	[tilespmem:$0xB00] =	vst v63  }
0x6e: {  	_ =	swait.ge [sflag:s9], $0x80  }
0x6f: {  	[sflag:s9] =	ssyncset.done $0x0  }
0x70: {  	[sflag:s9] =	ssyncadd.s32 $0xFFFFFF80  }
0x71: {  	_ =	swait.ge [sflag:s9], $0x80  }
0x72: {  	s16 =	sshrl.u32 s20, $0x3;
	[sflag:s9] =	ssyncset.done $0x0  }
0x73: {  	s17 =	sadd.s32 s5, s16;
	[sflag:s9] =	ssyncadd.s32 $0xFFFFFF80  }
0x74: {  	[tilespmem:s23], [sflag:$0x1] =	stream.linear.gather [hbm4b:s17+s4], $0x80, $0x38;
	[tilespmem:$0xB00] =	vst v63  }
0x75: {  	s16 =	sadd.s32 s6, s16  }
0x76: {  	[tilespmem:s24], [sflag:$0x2] =	stream.linear.gather [hbm4b:s16+s4], $0x80, $0x38;
	[tilespmem:$0xB00] =	vst v63  }
0x77: {  	_ =	swait.ge [sflag:s10], $0x80  }
0x78: {  	[sflag:s10] =	ssyncset.done $0x0  }
0x79: {  	[sflag:s10] =	ssyncadd.s32 $0xFFFFFF80  }
0x7a: {  	_ =	swait.ge [sflag:s10], $0x80  }
0x7b: {  	[sflag:s10] =	ssyncset.done $0x0  }
0x7c: {  	s21 =	sadd.s32 $0x0, s19;
	[sflag:s10] =	ssyncadd.s32 $0xFFFFFF80  }
0x7d: {  	[tilespmem:s25], [sflag:$0x3] =	stream.linear.gather [hbm4b:s21+s4], $0x80, $0x38;
	[tilespmem:$0xB00] =	vst v63  }
0x7e: {  	s17 =	sadd.s32 $0x0, s18;
	s16 =	simm.s32 $0x20;
	s21 =	sadd.s32 $0x100, s20  }
.LBB2_2:
0x7f: {  	[tilespmem:s26], [sflag:$0x4] =	stream.linear.gather [hbm4b:s17+s4], $0x80, $0x38;
	[tilespmem:$0xB00] =	vst v63  }
0x80: {  	s17 =	smov.u32 s16  }
0x81: {  	p0 =	sne.s32 s16, $0x4A0;
	s16 =	sadd.s32 $0x20, s16;
	_ =	swait.ge [sflag:s28], $0x80  }
0x82: {  	[sflag:s28] =	ssyncset.done $0x0  }
0x83: {  	[sflag:s28] =	ssyncadd.s32 $0xFFFFFF80  }
0x84: {  	_ =	swait.ge [sflag:s29], $0x80  }
0x85: {  	[sflag:s29] =	ssyncset.done $0x0  }
0x86: {  	[sflag:s29] =	ssyncadd.s32 $0xFFFFFF80  }
0x87: {  	[spmem:s2] =	stream.indirect.scatter.add.f32 [tilespmem:s31], [sflag:$0x5], $0x1, s23, s30, $0xb8;
	[tilespmem:$0xB00] =	vst v63  }
0x88: {  	_ = 	snop  }
0x89: {  	[spmem:s3] =	stream.indirect.scatter.add.f32 [tilespmem:s31], [sflag:$0x5], $0x1, s24, s30, $0xb8;
	[tilespmem:$0xB00] =	vst v63  }
0x8a: {  	_ =	swait.ge [sflag:s0], $0x80  }
0x8b: {  	[sflag:s0] =	ssyncset.done $0x0  }
0x8c: {  	[sflag:s0] =	ssyncadd.s32 $0xFFFFFF80  }
0x8d: {  	_ =	swait.ge [sflag:s1], $0x80  }
0x8e: {  	[sflag:s1] =	ssyncset.done $0x0  }
0x8f: {  	[sflag:s1] =	ssyncadd.s32 $0xFFFFFF80  }
0x90: {  	[spmem:s2] =	stream.indirect.scatter.add.f32 [tilespmem:s31], [sflag:$0x6], $0x1, s25, s30, $0xb8;
	[tilespmem:$0xB00] =	vst v63  }
0x91: {  	_ = 	snop  }
0x92: {  	[spmem:s3] =	stream.indirect.scatter.add.f32 [tilespmem:s31], [sflag:$0x6], $0x1, s26, s30, $0xb8;
	[tilespmem:$0xB00] =	vst v63  }
0x93: {  	_ =	swait.ge [sflag:s9], $0x80  }
0x94: {  	[sflag:s9] =	ssyncset.done $0x0  }
0x95: {  	[sflag:s9] =	ssyncadd.s32 $0xFFFFFF80  }
0x96: {  	_ =	swait.ge [sflag:s9], $0x80  }
0x97: {  	s11 =	sshrl.u32 s21, $0x3;
	[sflag:s9] =	ssyncset.done $0x0  }
0x98: {  	s12 =	sadd.s32 s5, s11;
	[sflag:s9] =	ssyncadd.s32 $0xFFFFFF80  }
0x99: {  	[tilespmem:s23], [sflag:$0x1] =	stream.linear.gather [hbm4b:s12+s4], $0x80, $0x38;
	[tilespmem:$0xB00] =	vst v63  }
0x9a: {  	s11 =	sadd.s32 s6, s11  }
0x9b: {  	[tilespmem:s24], [sflag:$0x2] =	stream.linear.gather [hbm4b:s11+s4], $0x80, $0x38;
	[tilespmem:$0xB00] =	vst v63  }
0x9c: {  	_ =	swait.ge [sflag:s10], $0x80  }
0x9d: {  	[sflag:s10] =	ssyncset.done $0x0  }
0x9e: {  	[sflag:s10] =	ssyncadd.s32 $0xFFFFFF80  }
.Ltmp0:
0x9f: {  	_ =	swait.ge [sflag:s10], $0x80;
	(pc) =	sbr.rel @p0 .LBB2_2-.Ltmp0, $4  }
0xa0: {  	[sflag:s10] =	ssyncset.done $0x0  }
0xa1: {  	s11 =	sadd.s32 s17, s19;
	[sflag:s10] =	ssyncadd.s32 $0xFFFFFF80  }
0xa2: {  	[tilespmem:s25], [sflag:$0x3] =	stream.linear.gather [hbm4b:s11+s4], $0x80, $0x38;
	[tilespmem:$0xB00] =	vst v63  }
0xa3: {  	s21 =	sadd.s32 $0x100, s21;
	s17 =	sadd.s32 s17, s18  }
0xa4: {  	[tilespmem:s26], [sflag:$0x4] =	stream.linear.gather [hbm4b:s17+s4], $0x80, $0x38;
	[tilespmem:$0xB00] =	vst v63  }
0xa5: {  	_ =	swait.ge [sflag:s28], $0x80  }
0xa6: {  	[sflag:s28] =	ssyncset.done $0x0  }
0xa7: {  	[sflag:s28] =	ssyncadd.s32 $0xFFFFFF80  }
0xa8: {  	_ =	swait.ge [sflag:s29], $0x80  }
0xa9: {  	[sflag:s29] =	ssyncset.done $0x0  }
0xaa: {  	[sflag:s29] =	ssyncadd.s32 $0xFFFFFF80  }
0xab: {  	[spmem:s2] =	stream.indirect.scatter.add.f32 [tilespmem:s31], [sflag:$0x5], $0x1, s23, s30, $0xb8;
	[tilespmem:$0xB00] =	vst v63  }
0xac: {  	_ = 	snop  }
0xad: {  	[spmem:s3] =	stream.indirect.scatter.add.f32 [tilespmem:s31], [sflag:$0x5], $0x1, s24, s30, $0xb8;
	[tilespmem:$0xB00] =	vst v63  }
0xae: {  	_ =	swait.ge [sflag:s0], $0x80  }
0xaf: {  	[sflag:s0] =	ssyncset.done $0x0  }
0xb0: {  	[sflag:s0] =	ssyncadd.s32 $0xFFFFFF80  }
0xb1: {  	_ =	swait.ge [sflag:s1], $0x80  }
0xb2: {  	[sflag:s1] =	ssyncset.done $0x0  }
0xb3: {  	[sflag:s1] =	ssyncadd.s32 $0xFFFFFF80  }
0xb4: {  	[spmem:s2] =	stream.indirect.scatter.add.f32 [tilespmem:s31], [sflag:$0x6], $0x1, s25, s30, $0xb8;
	[tilespmem:$0xB00] =	vst v63  }
0xb5: {  	_ = 	snop  }
0xb6: {  	[spmem:s3] =	stream.indirect.scatter.add.f32 [tilespmem:s31], [sflag:$0x6], $0x1, s26, s30, $0xb8;
	[tilespmem:$0xB00] =	vst v63  }
0xb7: {  	_ =	swait.ge [sflag:s9], $0x80  }
0xb8: {  	[sflag:s9] =	ssyncset.done $0x0  }
0xb9: {  	[sflag:s9] =	ssyncadd.s32 $0xFFFFFF80  }
0xba: {  	_ =	swait.ge [sflag:s9], $0x80  }
0xbb: {  	[sflag:s9] =	ssyncset.done $0x0  }
0xbc: {  	[sflag:s9] =	ssyncadd.s32 $0xFFFFFF80  }
0xbd: {  	_ =	swait.ge [sflag:s10], $0x80  }
0xbe: {  	[sflag:s10] =	ssyncset.done $0x0  }
0xbf: {  	[sflag:s10] =	ssyncadd.s32 $0xFFFFFF80  }
0xc0: {  	_ =	swait.ge [sflag:s10], $0x80  }
0xc1: {  	[sflag:s10] =	ssyncset.done $0x0  }
0xc2: {  	s12 =	simm.s32 $0xA00;
	s11 =	rddreg [dreg:$0x9];
	[sflag:s10] =	ssyncadd.s32 $0xFFFFFF80  }
0xc3: {  	[tilespmem:s12], [sflag:$0x7] =	stream.linear.gather [hbm4b:s11+s4], $0x10, $0x38;
	[tilespmem:$0xB00] =	vst v63  }
0xc4: {  	_ =	swait.ge [sflag:s22], $0x10  }
0xc5: {  	[sflag:s22] =	ssyncset.done $0x0  }
0xc6: {  	s16 =	simm.s32 $0xA80;
	s21 =	rddreg [dreg:$0xa];
	[sflag:s22] =	ssyncadd.s32 $0xFFFFFFF0  }
0xc7: {  	[tilespmem:s16], [sflag:$0x7] =	stream.linear.gather [hbm4b:s21+s4], $0x10, $0x38;
	[tilespmem:$0xB00] =	vst v63  }
0xc8: {  	_ =	swait.ge [sflag:s22], $0x10  }
0xc9: {  	[sflag:s22] =	ssyncset.done $0x0  }
0xca: {  	[sflag:s22] =	ssyncadd.s32 $0xFFFFFFF0  }
0xcb: {  	[spmem:s2] =	stream.indirect.scatter.add.f32 [tilespmem:s31], [sflag:$0x7], $0x1, s12, s13, $0xb8;
	[tilespmem:$0xB00] =	vst v63  }
0xcc: {  	_ =	swait.ge [sflag:s22], $0x10  }
0xcd: {  	[sflag:s22] =	ssyncset.done $0x0  }
0xce: {  	[sflag:s22] =	ssyncadd.s32 $0xFFFFFFF0  }
0xcf: {  	[spmem:s3] =	stream.indirect.scatter.add.f32 [tilespmem:s31], [sflag:$0x7], $0x1, s16, s13, $0xb8;
	[tilespmem:$0xB00] =	vst v63  }
0xd0: {  	_ =	swait.ge [sflag:s22], $0x10  }
0xd1: {  	[sflag:s22] =	ssyncset.done $0x0  }
0xd2: {  	s16 =	stileid.u32;
	[sflag:s22] =	ssyncadd.s32 $0xFFFFFFF0  }
0xd3: {  	s11 =	sshll.u32 s16, $0x6;
	[bflag:$0x0] =	sbarrier.arrive $0xFFFF  }
0xd4: {  	s17 =	sshrl.u32 s7, $0x3;
	s11 =	sor.u32 $0x1C07, s11;
	s21 =	rddreg [dreg:$0xb]  }
0xd5: {  	[hbm:s21@s14], [sflag:s11] =	dma.strided [spmem:s17@s13], $0x50, s28, $0x10   }
0xd6: {  	_ =	swait.ge [sflag:s22], $0x50  }
0xd7: {  	[sflag:s22] =	ssyncset.done $0x0  }
0xd8: {  	s16 =	sshrl.u32 s8, $0x3;
	s17 =	rddreg [dreg:$0xc];
	[sflag:s22] =	ssyncadd.s32 $0xFFFFFFB0  }
0xd9: {  	[hbm:s17@s14], [sflag:s11] =	dma.strided [spmem:s16@s13], $0x50, s28, $0x10   }
0xda: {  	_ =	swait.ge [sflag:s22], $0x50  }
0xdb: {  	s15 =	sadd.s32 $0x1, s15;
	s21 =	rddreg [dreg:$0xd]  }
0xdc: {  	p0 =	sne.s32 s15, s21  }
.Ltmp1:
0xdd: {  	_ = 	snop;
	(pc) =	sbr.rel @p0 .LBB2_1-.Ltmp1, $3  }
0xde: {  	_ =	sdelay $0x1  }
0xdf: {  	[sflag:s22] =	ssyncset.done $0x0  }
0xe0: {  	[sflag:s22] =	ssyncadd.s32 $0xFFFFFFB0  }
0xe1: {  	_ =	sfence.sel $0x180000  }
0xe2: {  	[bflag:$0x0] =	sbarrier.arrive $0xFFFF  }
0xe3: {  	_ =	strace $0x90000047  }
0xe4: {  	s0 =	stileid.u32;
	[bflag:$0x2] =	sbarrier.arrive $0xFFFF  }
0xe5: {  	p0 =	sne.s32 s0, $0x0;
	s0 =	rddreg [dreg:$0x4]  }
0xe6: {  	s0 =	sadd.s32 @!p0 $0x100000, s0  }
0xe7: {  	[sflag:s0] =	ssyncadd.tile.s32 @!p0 $0x1;
	_ =	shalt  }
.Lfunc_end2:
_tile_overlayer_lowered:
.L_overlay_start_2:
0xe8: {  	(tag) =	ssettag $0x2  }
0xe9: {  	s0 =	rddreg [dreg:$0x0];
	s2 =	stileid.u32  }
0xea: {  	s1 =	rddreg [dreg:$0x1];
	p0 =	sne.s32 s2, $0x0  }
0xeb: {  	s3 =	rddreg [dreg:$0x2];
	[bflag:$0x3] =	sbarrier.arrive $0xFFFF;
	s2 =	simm.s32 @!p0 $0x1C07  }
0xec: {  	[timem:s3], [sflag:s2] =	dma.local @!p0 [hbm:s0], s1  }
0xed: {  	s0 =	simm.s32 @!p0 $0x7  }
0xee: {  	_ =	swait.ge @!p0 [sflag:s0], s1  }
0xef: {  	s1 =	ssub.s32 @!p0 $0x0, s1;
	[sflag:s0] =	ssyncset.done @!p0 $0x0  }
0xf0: {  	[sflag:s0] =	ssyncadd.s32 @!p0 s1  }
0xf1: {  	[bflag:$0x3] =	sbarrier.arrive $0xFFFF  }
0xf2: {  	_ =	shalt  }

// kernel: kernel.9.cloned.1.call-start
scs
__scs_entry_jumppad:
0x0: {  	(pc) =	sbr.rel $0x88, $3  }
0x1: {  	(tag) =	ssettag $0x0;
	lr =	simm.s32 $0x1  }
0x2: {  	[smem:$0x3F9D] =	sst lr;
	_ =	strace $0xD0000000  }
0x3: {  	_ = 	snop  }
0x4: {  	_ = 	snop  }
0x5: {  	_ = 	snop  }
0x6: {  	_ = 	snop  }
0x7: {  	_ = 	snop  }
__scs_overlays_trampoline_lowered:
0x8: {  	[smem:$0x3FAC] =	sst s0  }
0x9: {  	[smem:$0x3FAD] =	sst s1  }
0xa: {  	[smem:$0x3FAE] =	sst s2  }
0xb: {  	[smem:$0x3FAF] =	sst s3  }
0xc: {  	[smem:$0x3FB0] =	sst s4  }
0xd: {  	[smem:$0x3FB1] =	sst s5  }
0xe: {  	[smem:$0x3FB2] =	sst s6  }
0xf: {  	[smem:$0x3FB3] =	sst s7  }
0x10: {  	[smem:$0x3FB4] =	sst s8  }
0x11: {  	[smem:$0x3FB5] =	sst s9;
	s0 =	simm.s32 @!p0 $0x0  }
0x12: {  	s1 =	sld [smem:$0x3F9B];
	s0 =	simm.s32 @p0 $0x1  }
0x13: {  	[smem:$0x3FB6] =	sst s0;
	s0 =	simm.s32 @!p1 $0x0  }
0x14: {  	s2 =	sld [smem:$0x3F9A];
	s0 =	simm.s32 @p1 $0x1  }
0x15: {  	[smem:$0x3FB7] =	sst s0;
	s0 =	simm.s32 @!p2 $0x0  }
0x16: {  	s3 =	sld [smem:$0x3FDB];
	s0 =	simm.s32 @p2 $0x1  }
0x17: {  	s4 =	simm.s32 $0x1BF5;
	[smem:$0x3FB9] =	sst s0  }
0x18: {  	s0 =	sld [smem:$0x3F9C];
	_ =	swait.ge [sflag:s4], $0x0  }
0x19: {  	s7 =	sld [smem:$0x3F9D]  }
0x1a: {  	s8 =	sadd.s32 $0xFFFFE003, lr  }
0x1b: {  	s9 =	sadd.s32 $0xFFFFFEF7, lr;
	s5 =	simm.s32 $0xFFFFFFFF;
	p2 =	slt.u32 s8, $0xFFFFF086  }
0x1c: {  	p1 =	slt.u32 s9, $0xF7A;
	s5 =	simm.s32 @!p2 $0x0  }
0x1d: {  	s5 =	simm.s32 @p1 $0x1;
	p0 =	seq.s32 s7, s2  }
0x1e: {  	s7 =	smul.u32 @!p0 $0xF7A, s2;
	p2 =	seq.s32 @!p0 s5, $0x0  }
0x1f: {  	s9 =	smul.u32 $0xF7A, s1;
	s8 =	simm.s32 @!p0 $0x1BF5;
	p2 =	por !p2, p0  }
0x20: {  	[sflag:s8] =	ssyncset.s32 @!p0 $0xFFFFF086;
	s6 =	sadd.s32 @!p0 s3, s7;
	s7 =	simm.s32 @!p0 $0x108  }
0x21: {  	s3 =	sadd.s32 s3, s9;
	s6 =	sadd.s32 @!p0 $0x88, s6;
	s7 =	simm.s32 @p2 $0x1082  }
0x22: {  	[simem:s7], [sflag:s8] =	dma.local @!p0 [hbm:s6], $0xF7A  }
0x23: {  	s9 =	sor.u32 $0xD0000000, s2;
	s6 =	simm.s32 $0x108;
	_ =	swait.ge @!p0 [sflag:s8], $0x0  }
0x24: {  	s3 =	sadd.s32 $0x88, s3;
	s6 =	simm.s32 @!p1 $0x1082;
	[sflag:s4] =	ssyncset.s32 $0xFFFFF086  }
0x25: {  	[simem:s6], [sflag:s4] =	dma.local [hbm:s3], $0xF7A  }
0x26: {  	[smem:$0x3F9D] =	sst s1;
	(tag) =	ssettag s2;
	_ =	strace s9  }
0x27: {  	s1 =	sld [smem:$0x3FAD]  }
0x28: {  	s2 =	sld [smem:$0x3FAE]  }
0x29: {  	s4 =	sld [smem:$0x3FB0]  }
0x2a: {  	p0 =	seq.s32 s5, $0x0;
	s5 =	sld [smem:$0x3FB1]  }
0x2b: {  	s6 =	sld [smem:$0x3FB2]  }
0x2c: {  	s7 =	sld [smem:$0x3FB3]  }
0x2d: {  	s3 =	simm.s32 $0x108;
	s8 =	sld [smem:$0x3FB4]  }
0x2e: {  	s3 =	simm.s32 @!p0 $0x1082;
	s9 =	sld [smem:$0x3FB5]  }
0x2f: {  	lr =	sadd.s32 s0, s3;
	s0 =	sld [smem:$0x3FAC]  }
0x30: {  	s3 =	sld [smem:$0x3FAF]  }
0x31: {  	[smem:$0x3FB8] =	sst s10  }
0x32: {  	s10 =	sld [smem:$0x3FB6];
	_ =	sdelay $0x3  }
0x33: {  	p0 =	seq.s32 s10, $0x1;
	s10 =	sld [smem:$0x3FB8];
	_ =	sdelay $0x3  }
0x34: {  	[smem:$0x3FB8] =	sst s10  }
0x35: {  	s10 =	sld [smem:$0x3FB7];
	_ =	sdelay $0x3  }
0x36: {  	p1 =	seq.s32 s10, $0x1;
	s10 =	sld [smem:$0x3FB8];
	_ =	sdelay $0x3  }
0x37: {  	[smem:$0x3FB8] =	sst s10  }
0x38: {  	s10 =	sld [smem:$0x3FB9]  }
0x39: {  	_ = 	snop;
	(pc) =	sbr.ind lr, $3  }
0x3a: {  	_ = 	snop  }
0x3b: {  	_ = 	snop  }
0x3c: {  	p2 =	seq.s32 s10, $0x1;
	s10 =	sld [smem:$0x3FB8]  }
0x3d: {  	_ =	shalt  }
0x3e: {  	_ =	shalt  }
0x3f: {  	_ =	shalt  }
0x40: {  	_ =	shalt  }
0x41: {  	_ =	shalt  }
0x42: {  	_ =	shalt  }
0x43: {  	_ =	shalt  }
0x44: {  	_ =	shalt  }
0x45: {  	_ =	shalt  }
0x46: {  	_ =	shalt  }
0x47: {  	_ =	shalt  }
0x48: {  	_ =	shalt  }
0x49: {  	_ =	shalt  }
0x4a: {  	_ =	shalt  }
0x4b: {  	_ =	shalt  }
0x4c: {  	_ =	shalt  }
0x4d: {  	_ =	shalt  }
0x4e: {  	_ =	shalt  }
0x4f: {  	_ =	shalt  }
0x50: {  	_ =	shalt  }
0x51: {  	_ =	shalt  }
0x52: {  	_ =	shalt  }
0x53: {  	_ =	shalt  }
0x54: {  	_ =	shalt  }
0x55: {  	_ =	shalt  }
0x56: {  	_ =	shalt  }
0x57: {  	_ =	shalt  }
0x58: {  	_ =	shalt  }
0x59: {  	_ =	shalt  }
0x5a: {  	_ =	shalt  }
0x5b: {  	_ =	shalt  }
0x5c: {  	_ =	shalt  }
0x5d: {  	_ =	shalt  }
0x5e: {  	_ =	shalt  }
0x5f: {  	_ =	shalt  }
0x60: {  	_ =	shalt  }
0x61: {  	_ =	shalt  }
0x62: {  	_ =	shalt  }
0x63: {  	_ =	shalt  }
0x64: {  	_ =	shalt  }
0x65: {  	_ =	shalt  }
0x66: {  	_ =	shalt  }
0x67: {  	_ =	shalt  }
0x68: {  	_ =	shalt  }
0x69: {  	_ =	shalt  }
0x6a: {  	_ =	shalt  }
0x6b: {  	_ =	shalt  }
0x6c: {  	_ =	shalt  }
0x6d: {  	_ =	shalt  }
0x6e: {  	_ =	shalt  }
0x6f: {  	_ =	shalt  }
0x70: {  	_ =	shalt  }
0x71: {  	_ =	shalt  }
0x72: {  	_ =	shalt  }
0x73: {  	_ =	shalt  }
0x74: {  	_ =	shalt  }
0x75: {  	_ =	shalt  }
0x76: {  	_ =	shalt  }
0x77: {  	_ =	shalt  }
0x78: {  	_ =	shalt  }
0x79: {  	_ =	shalt  }
0x7a: {  	_ =	shalt  }
0x7b: {  	_ =	shalt  }
0x7c: {  	_ =	shalt  }
0x7d: {  	_ =	shalt  }
0x7e: {  	_ =	shalt  }
0x7f: {  	_ =	shalt  }
0x80: {  	_ =	shalt  }
0x81: {  	_ =	shalt  }
0x82: {  	_ =	shalt  }
0x83: {  	_ =	shalt  }
0x84: {  	_ =	shalt  }
0x85: {  	_ =	shalt  }
0x86: {  	_ =	shalt  }
0x87: {  	_ =	shalt  }
.Lfunc_end0:
.L_simem_size_0:
called_computation.1_lowered:
.L_overlay_start_0:
0x88: {  	s2 =	sld [smem:$0x3FD9]  }
0x89: {  	s3 =	sld [smem:$0x3FFE];
	_ =	sdelay $0x1  }
0x8a: {  	s1 =	srdreg.scid  }
0x8b: {  	s0 =	sand.u32 $0x1, s1  }
0x8c: {  	s17 =	sshll.u32 s0, $0xA;
	s2 =	sadd.s32 s3, s2  }
0x8d: {  	s2 =	sadd.s32 s2, s17  }
0x8e: {  	[smem:$0x3FC4] =	sst s2  }
0x8f: {  	_ = 	snop  }
0x90: {  	s2 =	sld [smem:$0x3FD0];
	(tm) =	ssettm $0x1  }
0x91: {  	s18 =	sld [smem:$0x3FFB];
	_ =	sdelay $0x3  }
0x92: {  	_ =	strace s18  }
0x93: {  	s3 =	sld [smem:$0x3FFC];
	_ =	sdelay $0x3  }
0x94: {  	_ =	strace s3  }
0x95: {  	s3 =	sld [smem:$0x3FFD];
	_ =	sdelay $0x3  }
0x96: {  	_ =	strace s3  }
0x97: {  	_ =	strace $0x8FFFFFFF  }
0x98: {  	s19 =	sld [smem:$0x3FDB];
	_ =	sdelay $0x1  }
0x99: {  	s4 =	simm.s32 $_scs_section_size  }
0x9a: {  	s5 =	simm.s32 $_size__tile_overlayer_lowered;
	s6 =	simm.s32 $_tile_overlayer_lowered  }
0x9b: {  	s22 =	simm.s32 $0x1BFF;
	s21 =	sshll.u32 s6, $0x1;
	s3 =	sadd.s32 s4, s19  }
0x9c: {  	s7 =	simm.s32 $0x0;
	s20 =	sshll.u32 s5, $0x1;
	s5 =	sadd.s32 s21, s3  }
0x9d: {  	[timem:s7], [sflag:s22] =	dma.local [hbm:s5], s20  }
0x9e: {  	_ =	swait.ge [sflag:s22], s20  }
0x9f: {  	s4 =	ssub.s32 $0x0, s20;
	[sflag:s22] =	ssyncset.done $0x0  }
0xa0: {  	[sflag:s22] =	ssyncadd.s32 s4;
	_ =	sdelay $0x1  }
0xa1: {  	s23 =	simm.s32 $0x1B8B  }
0xa2: {  	_ =	swait.ge [sflag:s23], $0x1  }
0xa3: {  	[sflag:s23] =	ssyncset.done $0x0  }
0xa4: {  	s25 =	simm.s32 $0x1B8E;
	s24 =	sld [smem:$0x3FFE];
	[sflag:s23] =	ssyncadd.s32 $0xFFFFFFFF  }
0xa5: {  	s26 =	simm.s32 $execute0_lowered;
	[smem:$0x3FD2] =	sst s25  }
0xa6: {  	s5 =	sshll.u32 s26, $0x1;
	_ =	strace $0x80000049;
	[dreg:$0x1] =	wrdreg $0xFFFFFFFF  }
0xa7: {  	s28 =	simm.s32 $_size_execute0_lowered;
	s3 =	sadd.s32 s3, s5;
	[dreg:$0x0] =	wrdreg $0x0  }
0xa8: {  	s5 =	sshll.u32 s28, $0x1;
	[dreg:$0x2] =	wrdreg s3  }
0xa9: {  	[dreg:$0x3] =	wrdreg s5  }
0xaa: {  	[dreg:$0x4] =	wrdreg $0xC0  }
0xab: {  	_ =	task [dreg:s7], $0x5FFFF  }
0xac: {  	[dreg:$0x1] =	wrdreg $0xFFFFFFFF  }
0xad: {  	[dreg:$0x0] =	wrdreg $0x60  }
0xae: {  	[dreg:$0x2] =	wrdreg s2  }
0xaf: {  	[dreg:$0x3] =	wrdreg s24  }
0xb0: {  	[dreg:$0x4] =	wrdreg $0x0  }
0xb1: {  	[dreg:$0x5] =	wrdreg $0x9  }
0xb2: {  	_ =	task.clear_ibuf [dreg:s7], $0x6FFFF;
	_ =	strace $0x90000049  }
0xb3: {  	s29 =	simm.s32 $0x9;
	_ =	strace $0x8000004B  }
0xb4: {  	_ =	swait.ge [sflag:s29], $0x1  }
0xb5: {  	[sflag:s29] =	ssyncadd.s32 $0xFFFFFFFF  }
0xb6: {  	_ =	strace $0x9000004B  }
0xb7: {  	_ =	sfence  }
0xb8: {  	s30 =	sld [smem:$0x0];
	_ =	sdelay $0x2  }
0xb9: {  	s31 =	sshll.u32 s1, $0xD;
	s1 =	sshrl.u32 s1, $0x2  }
0xba: {  	s3 =	sand.u32 $0x4000, s31;
	s1 =	sadd.s32 s1, s30  }
0xbb: {  	s0 =	sor.u32 s3, s0;
	s1 =	sshll.u32 s1, $0x11  }
0xbc: {  	s0 =	sor.u32 s1, s0  }
0xbd: {  	s0 =	sadd.s32 $0x8F2B, s0  }
0xbe: {  	[sflag:s0] =	ssyncadd.remote.s32 $0x1  }
0xbf: {  	_ =	sfence.sel $0xFFFF  }
0xc0: {  	[dreg:$0x0] =	wrdreg $0xFFFFFFFF;
	(pc) =	sbr.abs _section_cstart, $3  }
0xc1: {  	[dreg:$0x1] =	wrdreg $0xFFFFFFFF  }
0xc2: {  	_ =	task.clear_ibuf [dreg:s7], $0x2FFFF;
	_ =	strace $0x9FFFFFFF  }
0xc3: {  	(tm) =	ssettm $0x7FFFFFFF  }
tec
execute0_lowered:
.L_overlay_start_1:
0x0: {  	(tag) =	ssettag $0x1  }
0x1: {  	s1 =	rddreg [dreg:$0x0]  }
0x2: {  	s0 =	rddreg [dreg:$0x1]  }
0x3: {  	s3 =	rddreg [dreg:$0x2]  }
0x4: {  	s2 =	srdreg.scid;
	s11 =	stileid.u32  }
0x5: {  	s4 =	simm.s32 $0x0;
	s28 =	simm.s32 $0x3;
	s29 =	simm.s32 $0x1  }
0x6: {  	s30 =	simm.s32 $0x4;
	s31 =	simm.s32 $0x2;
	s7 =	smul.u32 $0x14000, s11  }
0x7: {  	s2 =	sand.u32 $0x1, s2;
	[smem:$0x7FF] =	sst s4;
	s8 =	smul.u32 $0x50000, s11  }
0x8: {  	s5 =	sshll.u32 s2, $0x4;
	s6 =	smul.u32 $0x140000, s2;
	_ =	strace $0x8000004A  }
0x9: {  	s10 =	ssub.s32 $0x2, s2;
	s2 =	smul.u32 $0x27100, s2;
	s5 =	sor.u32 s11, s5  }
0xa: {  	s18 =	sshrl.u32 s8, $0x2;
	s19 =	sshrl.u32 s10, $0x1;
	s11 =	smul.u32 $0x2710, s11  }
0xb: {  	s5 =	smul.u32 $0x2710, s5;
	s6 =	sadd.s32 s7, s6;
	s8 =	ssub.s32 s10, s19  }
0xc: {  	s19 =	simm.s32 $0x16780;
	s6 =	sshrl.u32 s6, $0x3;
	s2 =	sadd.s32 s11, s2  }
0xd: {  	s16 =	smax.u32 s8, $0x1;
	s17 =	sshrl.u32 s5, $0x3;
	s5 =	sadd.s32 $0x1A00, s0  }
0xe: {  	s9 =	sadd.s32 s17, s0;
	s0 =	sadd.s32 s6, s0;
	s6 =	sadd.s32 s18, s3  }
0xf: {  	s24 =	sadd.s32 $0x180, s2;
	s12 =	sadd.s32 s5, s17;
	s20 =	sadd.s32 $0x4000, s6  }
0x10: {  	s7 =	sshrl.u32 s24, $0x3;
	s21 =	sadd.s32 $0x8000, s6;
	[dreg:$0x4] =	wrdreg s20  }
0x11: {  	s18 =	sadd.s32 $0x100, s2;
	s22 =	sadd.s32 $0xC000, s6;
	[dreg:$0x5] =	wrdreg s21  }
0x12: {  	s24 =	simm.s32 $0x1E800;
	s23 =	sadd.s32 $0x10000, s6;
	[dreg:$0x6] =	wrdreg s22  }
0x13: {  	s2 =	simm.s32 $0x10;
	s9 =	sadd.s32 $0xB800, s9;
	[dreg:$0x7] =	wrdreg s23  }
0x14: {  	s25 =	sadd.s32 $0x10, s12;
	s26 =	sadd.s32 $0x4E0, s12;
	[dreg:$0x8] =	wrdreg s9  }
0x15: {  	s15 =	sadd.s32 $0x66000, s0;
	s17 =	sadd.s32 s7, s5;
	[dreg:$0x9] =	wrdreg s25  }
0x16: {  	s0 =	simm.s32 $0x1F080;
	s7 =	simm.s32 $0x0;
	[dreg:$0xa] =	wrdreg s26  }
0x17: {  	s20 =	simm.s32 $0x5;
	s21 =	simm.s32 $0x14000;
	s22 =	simm.s32 $0x1E780  }
0x18: {  	v0 =	vimm.f32 $0.0e+00;
	s23 =	simm.s32 $0x80;
	s26 =	simm.s32 $0x1A780;
	s25 =	simm.s32 $0x1E880  }
.LBB2_1:
0x19: {  	s8 =	simm.s32 $0x0;
	s9 =	simm.s32 $0x200  }
.LBB2_2:
0x1a: {  	p0 =	sne.s32 s9, $0xFE00;
	[tilespmem:s8+$0x167F0] =	vst v0  }
0x1b: {  	[tilespmem:s8+$0x16780] =	vst v0  }
0x1c: {  	[tilespmem:s8+$0x16790] =	vst v0  }
.Ltmp0:
0x1d: {  	[tilespmem:s8+$0x167A0] =	vst v0;
	(pc) =	sbr.rel @p0 .LBB2_2-.Ltmp0, $4  }
0x1e: {  	[tilespmem:s8+$0x167B0] =	vst v0  }
0x1f: {  	[tilespmem:s8+$0x167C0] =	vst v0  }
0x20: {  	[tilespmem:s8+$0x167D0] =	vst v0  }
0x21: {  	[tilespmem:s8+$0x167E0] =	vst v0;
	s8 =	sshra.s32 s9, $0x2;
	s9 =	sadd.s32 $0x200, s9  }
0x22: {  	[tilespmem:s8+$0x167F0] =	vst v0  }
0x23: {  	[tilespmem:s8+$0x16780] =	vst v0  }
0x24: {  	[tilespmem:s8+$0x16790] =	vst v0  }
0x25: {  	[tilespmem:s8+$0x167A0] =	vst v0  }
0x26: {  	[tilespmem:s8+$0x167B0] =	vst v0  }
0x27: {  	[tilespmem:s8+$0x167C0] =	vst v0  }
0x28: {  	[tilespmem:s8+$0x167D0] =	vst v0  }
0x29: {  	[tilespmem:s8+$0x167E0] =	vst v0  }
0x2a: {  	[spmem:s6] =	stream.linear.scatter [tilespmem:s19], [sflag:$0x5], $0x4000, $0x38;
	[tilespmem:$0x1F100] =	vst v63  }
0x2b: {  	_ =	swait.ge [sflag:s20], $0x4000  }
0x2c: {  	[sflag:s20] =	ssyncset.done $0x0  }
0x2d: {  	s14 =	rddreg [dreg:$0x4];
	[sflag:s20] =	ssyncadd.s32 $0xFFFFC000  }
0x2e: {  	[spmem:s14] =	stream.linear.scatter [tilespmem:s19], [sflag:$0x5], $0x4000, $0x38;
	[tilespmem:$0x1F100] =	vst v63  }
0x2f: {  	_ =	swait.ge [sflag:s20], $0x4000  }
0x30: {  	[sflag:s20] =	ssyncset.done $0x0  }
0x31: {  	s9 =	rddreg [dreg:$0x5];
	[sflag:s20] =	ssyncadd.s32 $0xFFFFC000  }
0x32: {  	[spmem:s9] =	stream.linear.scatter [tilespmem:s19], [sflag:$0x5], $0x4000, $0x38;
	[tilespmem:$0x1F100] =	vst v63  }
0x33: {  	_ =	swait.ge [sflag:s20], $0x4000  }
0x34: {  	[sflag:s20] =	ssyncset.done $0x0  }
0x35: {  	s10 =	rddreg [dreg:$0x6];
	[sflag:s20] =	ssyncadd.s32 $0xFFFFC000  }
0x36: {  	[spmem:s10] =	stream.linear.scatter [tilespmem:s19], [sflag:$0x5], $0x4000, $0x38;
	[tilespmem:$0x1F100] =	vst v63  }
0x37: {  	_ =	swait.ge [sflag:s20], $0x4000  }
0x38: {  	[sflag:s20] =	ssyncset.done $0x0  }
0x39: {  	s11 =	rddreg [dreg:$0x7];
	[sflag:s20] =	ssyncadd.s32 $0xFFFFC000  }
0x3a: {  	[spmem:s11] =	stream.linear.scatter [tilespmem:s19], [sflag:$0x5], $0x4000, $0x38;
	[tilespmem:$0x1F100] =	vst v63  }
0x3b: {  	_ =	swait.ge [sflag:s20], $0x4000  }
0x3c: {  	[sflag:s20] =	ssyncset.done $0x0  }
0x3d: {  	s13 =	simm.s32 $0x0;
	s9 =	rddreg [dreg:$0x8];
	[sflag:s20] =	ssyncadd.s32 $0xFFFFC000  }
0x3e: {  	[tilespmem:s21], [sflag:$0x5] =	stream.linear.gather [hbm4b:s9+s13], $0x2710, $0x38;
	[tilespmem:$0x1F100] =	vst v63  }
0x3f: {  	_ =	swait.ge [sflag:s20], $0x2710  }
0x40: {  	[sflag:s20] =	ssyncset.done $0x0  }
0x41: {  	[sflag:s20] =	ssyncadd.s32 $0xFFFFD8F0  }
0x42: {  	[bflag:$0x0] =	sbarrier.arrive $0xFFFF  }
0x43: {  	[tilespmem:s22], [sflag:$0x3] =	stream.linear.gather [hbm4b:s12+s13], $0x80, $0x38;
	[tilespmem:$0x1F100] =	vst v63  }
0x44: {  	_ = 	snop  }
0x45: {  	[tilespmem:s19], [sflag:$0x1] =	stream.indirect.gather [hbm4b:s1+s23], $0x80, s21, s23, $0xb8;
	[tilespmem:$0x1F100] =	vst v63  }
0x46: {  	s14 =	rddreg [dreg:$0x9]  }
0x47: {  	[tilespmem:s24], [sflag:$0x4] =	stream.linear.gather [hbm4b:s14+s13], $0x80, $0x38;
	[tilespmem:$0x1F100] =	vst v63  }
0x48: {  	s10 =	simm.s32 $0x14080  }
0x49: {  	[tilespmem:s26], [sflag:$0x2] =	stream.indirect.gather [hbm4b:s1+s23], $0x80, s10, s23, $0xb8;
	[tilespmem:$0x1F100] =	vst v63  }
0x4a: {  	_ =	swait.ge [sflag:s28], $0x80  }
0x4b: {  	[sflag:s28] =	ssyncset.done $0x0  }
0x4c: {  	[sflag:s28] =	ssyncadd.s32 $0xFFFFFF80  }
0x4d: {  	_ =	swait.ge [sflag:s29], $0x4000  }
0x4e: {  	[sflag:s29] =	ssyncset.done $0x0  }
0x4f: {  	[sflag:s29] =	ssyncadd.s32 $0xFFFFC000  }
0x50: {  	[spmem:s3] =	stream.indirect.scatter.add.f32 [tilespmem:s19], [sflag:$0x5], $0x80, s22, s23, $0xb8;
	[tilespmem:$0x1F100] =	vst v63  }
0x51: {  	_ =	swait.ge [sflag:s20], $0x4000  }
0x52: {  	s11 =	sshrl.u32 s18, $0x3;
	[sflag:s20] =	ssyncset.done $0x0  }
0x53: {  	s8 =	sadd.s32 s5, s11;
	[sflag:s20] =	ssyncadd.s32 $0xFFFFC000  }
0x54: {  	[tilespmem:s22], [sflag:$0x3] =	stream.linear.gather [hbm4b:s8+s4], $0x80, $0x38;
	[tilespmem:$0x1F100] =	vst v63  }
0x55: {  	s13 =	simm.s32 $0x14100  }
0x56: {  	[tilespmem:s19], [sflag:$0x1] =	stream.indirect.gather [hbm4b:s1+s23], $0x80, s13, s23, $0xb8;
	[tilespmem:$0x1F100] =	vst v63  }
0x57: {  	_ =	swait.ge [sflag:s30], $0x80  }
0x58: {  	[sflag:s30] =	ssyncset.done $0x0  }
0x59: {  	[sflag:s30] =	ssyncadd.s32 $0xFFFFFF80  }
0x5a: {  	_ =	swait.ge [sflag:s31], $0x4000  }
0x5b: {  	[sflag:s31] =	ssyncset.done $0x0  }
0x5c: {  	[sflag:s31] =	ssyncadd.s32 $0xFFFFC000  }
0x5d: {  	[spmem:s3] =	stream.indirect.scatter.add.f32 [tilespmem:s26], [sflag:$0x5], $0x80, s24, s23, $0xb8;
	[tilespmem:$0x1F100] =	vst v63  }
0x5e: {  	s11 =	sadd.s32 $0x100, s18;
	_ =	swait.ge [sflag:s20], $0x4000  }
0x5f: {  	s9 =	simm.s32 $0x20;
	s14 =	sadd.s32 $0x0, s17;
	[sflag:s20] =	ssyncset.done $0x0  }
0x60: {  	s10 =	simm.s32 $0x14280;
	s8 =	simm.s32 $0x14180;
	[sflag:s20] =	ssyncadd.s32 $0xFFFFC000  }
0x61: {  	[tilespmem:s24], [sflag:$0x4] =	stream.linear.gather [hbm4b:s14+s4], $0x80, $0x38;
	[tilespmem:$0x1F100] =	vst v63  }
.LBB2_4:
0x62: {  	[tilespmem:s26], [sflag:$0x2] =	stream.indirect.gather [hbm4b:s1+s23], $0x80, s8, s23, $0xb8;
	[tilespmem:$0x1F100] =	vst v63  }
0x63: {  	s13 =	smov.u32 s9;
	s8 =	smov.u32 s10  }
0x64: {  	p0 =	sne.s32 s9, $0x4A0;
	s9 =	sadd.s32 $0x20, s9;
	_ =	swait.ge [sflag:s28], $0x80  }
0x65: {  	[sflag:s28] =	ssyncset.done $0x0  }
0x66: {  	[sflag:s28] =	ssyncadd.s32 $0xFFFFFF80  }
0x67: {  	_ =	swait.ge [sflag:s29], $0x4000  }
0x68: {  	[sflag:s29] =	ssyncset.done $0x0  }
0x69: {  	[sflag:s29] =	ssyncadd.s32 $0xFFFFC000  }
0x6a: {  	[spmem:s3] =	stream.indirect.scatter.add.f32 [tilespmem:s19], [sflag:$0x5], $0x80, s22, s23, $0xb8;
	[tilespmem:$0x1F100] =	vst v63  }
0x6b: {  	_ =	swait.ge [sflag:s20], $0x4000  }
0x6c: {  	s14 =	sshrl.u32 s11, $0x3;
	[sflag:s20] =	ssyncset.done $0x0  }
0x6d: {  	s14 =	sadd.s32 s5, s14;
	[sflag:s20] =	ssyncadd.s32 $0xFFFFC000  }
0x6e: {  	[tilespmem:s22], [sflag:$0x3] =	stream.linear.gather [hbm4b:s14+s4], $0x80, $0x38;
	[tilespmem:$0x1F100] =	vst v63  }
0x6f: {  	s14 =	sadd.s32 $0xFFFFFF80, s10  }
0x70: {  	[tilespmem:s19], [sflag:$0x1] =	stream.indirect.gather [hbm4b:s1+s23], $0x80, s14, s23, $0xb8;
	[tilespmem:$0x1F100] =	vst v63  }
0x71: {  	_ =	swait.ge [sflag:s30], $0x80  }
0x72: {  	[sflag:s30] =	ssyncset.done $0x0  }
0x73: {  	[sflag:s30] =	ssyncadd.s32 $0xFFFFFF80  }
0x74: {  	_ =	swait.ge [sflag:s31], $0x4000  }
0x75: {  	[sflag:s31] =	ssyncset.done $0x0  }
0x76: {  	[sflag:s31] =	ssyncadd.s32 $0xFFFFC000  }
0x77: {  	[spmem:s3] =	stream.indirect.scatter.add.f32 [tilespmem:s26], [sflag:$0x5], $0x80, s24, s23, $0xb8;
	[tilespmem:$0x1F100] =	vst v63  }
.Ltmp1:
0x78: {  	_ =	swait.ge [sflag:s20], $0x4000;
	(pc) =	sbr.rel @p0 .LBB2_4-.Ltmp1, $4  }
0x79: {  	[sflag:s20] =	ssyncset.done $0x0  }
0x7a: {  	s13 =	sadd.s32 s13, s17;
	[sflag:s20] =	ssyncadd.s32 $0xFFFFC000  }
0x7b: {  	[tilespmem:s24], [sflag:$0x4] =	stream.linear.gather [hbm4b:s13+s4], $0x80, $0x38;
	[tilespmem:$0x1F100] =	vst v63  }
0x7c: {  	s11 =	sadd.s32 $0x100, s11;
	s10 =	sadd.s32 $0x100, s10  }
0x7d: {  	[tilespmem:s26], [sflag:$0x2] =	stream.indirect.gather [hbm4b:s1+s23], $0x80, s8, s23, $0xb8;
	[tilespmem:$0x1F100] =	vst v63  }
0x7e: {  	_ =	swait.ge [sflag:s28], $0x80  }
0x7f: {  	[sflag:s28] =	ssyncset.done $0x0  }
0x80: {  	[sflag:s28] =	ssyncadd.s32 $0xFFFFFF80  }
0x81: {  	_ =	swait.ge [sflag:s29], $0x4000  }
0x82: {  	[sflag:s29] =	ssyncset.done $0x0  }
0x83: {  	[sflag:s29] =	ssyncadd.s32 $0xFFFFC000  }
0x84: {  	[spmem:s3] =	stream.indirect.scatter.add.f32 [tilespmem:s19], [sflag:$0x5], $0x80, s22, s23, $0xb8;
	[tilespmem:$0x1F100] =	vst v63  }
0x85: {  	_ =	swait.ge [sflag:s20], $0x4000  }
0x86: {  	[sflag:s20] =	ssyncset.done $0x0  }
0x87: {  	[sflag:s20] =	ssyncadd.s32 $0xFFFFC000  }
0x88: {  	_ =	swait.ge [sflag:s30], $0x80  }
0x89: {  	[sflag:s30] =	ssyncset.done $0x0  }
0x8a: {  	[sflag:s30] =	ssyncadd.s32 $0xFFFFFF80  }
0x8b: {  	_ =	swait.ge [sflag:s31], $0x4000  }
0x8c: {  	[sflag:s31] =	ssyncset.done $0x0  }
0x8d: {  	[sflag:s31] =	ssyncadd.s32 $0xFFFFC000  }
0x8e: {  	[spmem:s3] =	stream.indirect.scatter.add.f32 [tilespmem:s26], [sflag:$0x5], $0x80, s24, s23, $0xb8;
	[tilespmem:$0x1F100] =	vst v63  }
0x8f: {  	_ =	swait.ge [sflag:s20], $0x4000  }
0x90: {  	[sflag:s20] =	ssyncset.done $0x0  }
0x91: {  	s11 =	rddreg [dreg:$0xa];
	[sflag:s20] =	ssyncadd.s32 $0xFFFFC000  }
0x92: {  	[tilespmem:s0], [sflag:$0x5] =	stream.linear.gather [hbm4b:s11+s4], $0x10, $0x38;
	[tilespmem:$0x1F100] =	vst v63  }
0x93: {  	_ =	swait.ge [sflag:s20], $0x10  }
0x94: {  	[sflag:s20] =	ssyncset.done $0x0  }
0x95: {  	s13 =	simm.s32 $0x16700;
	[sflag:s20] =	ssyncadd.s32 $0xFFFFFFF0  }
0x96: {  	[tilespmem:s25], [sflag:$0x1] =	stream.indirect.gather [hbm4b:s1+s2], $0x80, s13, s2, $0xb8;
	[tilespmem:$0x1F100] =	vst v63  }
0x97: {  	_ =	swait.ge [sflag:s29], $0x800  }
0x98: {  	[sflag:s29] =	ssyncset.done $0x0  }
0x99: {  	[sflag:s29] =	ssyncadd.s32 $0xFFFFF800  }
0x9a: {  	[spmem:s3] =	stream.indirect.scatter.add.f32 [tilespmem:s25], [sflag:$0x5], $0x80, s0, s2, $0xb8;
	[tilespmem:$0x1F100] =	vst v63  }
0x9b: {  	s14 =	stileid.u32;
	_ =	swait.ge [sflag:s20], $0x800  }
0x9c: {  	s9 =	sshrl.u32 s6, $0x3;
	s7 =	sadd.s32 $0x1, s7;
	[sflag:s20] =	ssyncset.done $0x0  }
0x9d: {  	s8 =	sshll.u32 s14, $0x6;
	p0 =	sne.s32 s7, s16;
	[sflag:s20] =	ssyncadd.s32 $0xFFFFF800  }
.Ltmp2:
0x9e: {  	s8 =	sor.u32 $0x1C05, s8;
	[bflag:$0x0] =	sbarrier.arrive $0xFFFF;
	(pc) =	sbr.rel @p0 .LBB2_1-.Ltmp2, $4  }
0x9f: {  	[hbm:s15], [sflag:s8] =	dma.local [spmem:s9], $0x2800  }
0xa0: {  	_ =	swait.ge [sflag:s20], $0x2800  }
0xa1: {  	[sflag:s20] =	ssyncset.done $0x0  }
0xa2: {  	[sflag:s20] =	ssyncadd.s32 $0xFFFFD800  }
0xa3: {  	_ =	sfence.sel $0x180000  }
0xa4: {  	[bflag:$0x0] =	sbarrier.arrive $0xFFFF  }
0xa5: {  	_ =	strace $0x9000004A  }
0xa6: {  	s0 =	stileid.u32;
	[bflag:$0x2] =	sbarrier.arrive $0xFFFF  }
0xa7: {  	p0 =	sne.s32 s0, $0x0;
	s0 =	rddreg [dreg:$0x3]  }
0xa8: {  	s0 =	sadd.s32 @!p0 $0x100000, s0  }
0xa9: {  	[sflag:s0] =	ssyncadd.tile.s32 @!p0 $0x1;
	_ =	shalt  }
.Lfunc_end2:
_tile_overlayer_lowered:
.L_overlay_start_2:
0xaa: {  	(tag) =	ssettag $0x2  }
0xab: {  	s0 =	rddreg [dreg:$0x0];
	s2 =	stileid.u32  }
0xac: {  	s1 =	rddreg [dreg:$0x1];
	p0 =	sne.s32 s2, $0x0  }
0xad: {  	s3 =	rddreg [dreg:$0x2];
	[bflag:$0x3] =	sbarrier.arrive $0xFFFF;
	s2 =	simm.s32 @!p0 $0x1C05  }
0xae: {  	[timem:s3], [sflag:s2] =	dma.local @!p0 [hbm:s0], s1  }
0xaf: {  	s0 =	simm.s32 @!p0 $0x5  }
0xb0: {  	_ =	swait.ge @!p0 [sflag:s0], s1  }
0xb1: {  	s1 =	ssub.s32 @!p0 $0x0, s1;
	[sflag:s0] =	ssyncset.done @!p0 $0x0  }
0xb2: {  	[sflag:s0] =	ssyncadd.s32 @!p0 s1  }
0xb3: {  	[bflag:$0x3] =	sbarrier.arrive $0xFFFF  }
0xb4: {  	_ =	shalt  }

</sc_bundles>
